<compile_context>
chip_gen: v7x
topology: tpu7x:2x2x1
jax: 0.10.2.dev20260603
libtpu: 0.0.44.dev20260713+nightly
codegen_flags: <defaults>
</compile_context>

<pallas_src>
import functools

import jax
import jax.numpy as jnp
from jax import lax
from jax.experimental import pallas as pl
from jax.experimental.pallas import tpu as pltpu
from jax.experimental.pallas import tpu_sc as plsc

N_NODES = 10000
N_EDGES = 160000
D_IN = 256
D_OUT = 256
DH = D_IN // 2

NC = 2
NS = 16
L = 16
CHUNK = 128
NCHUNK = 80
E_PER_TILE = NCHUNK * CHUNK
E_PAD = NS * E_PER_TILE

NPASS = 2
H_ROWS = 10240
PROWS = H_ROWS // NPASS
TRASH = PROWS
A_ROWS = PROWS + 128
ZROWS = A_ROWS // NS
OROWS = PROWS // NS

DBITS = 14
DMASK = (1 << DBITS) - 1
CROWS = NCHUNK + 2
CCAP = CROWS * CHUNK


def _sc_agg_build():
    mesh = plsc.VectorSubcoreMesh(core_axis_name="c", subcore_axis_name="s")

    @functools.partial(
        pl.kernel,
        mesh=mesh,
        compiler_params=pltpu.CompilerParams(needs_layout_passes=False),
        out_type=jax.ShapeDtypeStruct((NC, H_ROWS, DH), jnp.float32),
        scratch_types=[
            pltpu.VMEM((E_PER_TILE,), jnp.int32),
            pltpu.VMEM((CCAP,), jnp.int32),
            pltpu.VMEM((CCAP,), jnp.int32),
            pltpu.VMEM((CCAP,), jnp.int32),
            pltpu.VMEM((CROWS, CHUNK), jnp.int32),
            pltpu.VMEM((CHUNK, DH), jnp.float32),
            pltpu.VMEM((CHUNK, DH), jnp.float32),
            pltpu.VMEM_SHARED((A_ROWS, DH), jnp.float32),
            pltpu.SemaphoreType.DMA,
            pltpu.SemaphoreType.DMA,
        ],
    )
    def sc_agg(x2, combo_hbm, zeros, out,
               combo, cc0, cc1, srcf, dst2d, rows0, rows1, h_sh,
               sem0, sem1):
        c = lax.axis_index("c")
        s = lax.axis_index("s")

        pltpu.sync_copy(combo_hbm.at[s], combo)

        def pbody(g, _):
            cc0[pl.ds(g * L, L)] = jnp.full((L,), TRASH, jnp.int32)
            cc1[pl.ds(g * L, L)] = jnp.full((L,), PROWS + TRASH, jnp.int32)
            return _

        lax.fori_loop(0, CCAP // L, pbody, None)

        li = lax.iota(jnp.int32, L)
        zv = jnp.zeros((L,), jnp.int32)

        def cbody(g, offs):
            off0, off1 = offs
            v = combo[pl.ds(g * L, L)]
            m0 = (v & DMASK) < PROWS
            csum = plsc.cumsum(m0.astype(jnp.int32))
            pos0 = off0 + csum - 1
            pos1 = off1 + li - csum
            plsc.store_scatter(cc0, [jnp.where(m0, pos0, zv)], v, mask=m0)
            plsc.store_scatter(cc1, [jnp.where(m0, zv, pos1)], v,
                               mask=jnp.logical_not(m0))
            cnt = csum[L - 1]
            return (off0 + cnt, off1 + (L - cnt))

        n0, n1 = lax.fori_loop(0, E_PER_TILE // L, cbody, (0, 0))

        for p in range(NPASS):
            cc = cc0 if p == 0 else cc1
            ncnt = n0 if p == 0 else n1
            nch = (ncnt + CHUNK - 1) // CHUNK
            plsc.subcore_barrier()
            pltpu.sync_copy(zeros, h_sh.at[pl.ds(s * ZROWS, ZROWS)])

            def ubody(g, _):
                v = cc[pl.ds(g * L, L)]
                srcf[pl.ds(g * L, L)] = (v >> DBITS) + c * N_NODES
                d = (v & DMASK) - (p * PROWS)
                d = jnp.where((d >= 0) & (d < PROWS), d, TRASH)
                dst2d[g // (CHUNK // L), pl.ds((g % (CHUNK // L)) * L, L)] = d
                return _

            lax.fori_loop(0, CCAP // L, ubody, None)
            plsc.subcore_barrier()

            for k, (buf, sem) in enumerate(((rows0, sem0), (rows1, sem1))):
                @pl.when(k < nch)
                def _prime():
                    pltpu.async_copy(
                        x2.at[srcf.at[pl.ds(k * CHUNK, CHUNK)]], buf, sem)

            def body(j2, _):
                for k, (buf, sem) in enumerate(((rows0, sem0), (rows1, sem1))):
                    j = 2 * j2 + k

                    @pl.when(j < nch)
                    def _work():
                        pltpu.make_async_copy(
                            x2.at[srcf.at[pl.ds(j * CHUNK, CHUNK)]],
                            buf, sem).wait()
                        pltpu.sync_copy(buf, h_sh.at[dst2d.at[j]], add=True)
                        nxt = j + 2

                        @pl.when(nxt < nch)
                        def _start():
                            pltpu.async_copy(
                                x2.at[srcf.at[pl.ds(nxt * CHUNK, CHUNK)]],
                                buf, sem)
                return _

            lax.fori_loop(0, CROWS // 2, body, None)
            plsc.subcore_barrier()

            pltpu.sync_copy(h_sh.at[pl.ds(s * OROWS, OROWS)],
                            out.at[c, pl.ds(p * PROWS + s * OROWS, OROWS)])

    return sc_agg


_sc_agg = _sc_agg_build()


BM = 1000


def _mm_body(h2_ref, wt_ref, b_ref, o_ref):
    acc = b_ref[...]
    for q in range(NC):
        acc = acc + jnp.dot(h2_ref[q], wt_ref[q * DH:(q + 1) * DH],
                            preferred_element_type=jnp.float32)
    o_ref[...] = jnp.maximum(acc, 0.0)


def _tc_linear(h2, w_t, b2):
    return pl.pallas_call(
        _mm_body,
        grid=(N_NODES // BM,),
        in_specs=[
            pl.BlockSpec((NC, BM, DH), lambda i: (0, i, 0)),
            pl.BlockSpec((D_IN, D_OUT), lambda i: (0, 0)),
            pl.BlockSpec((1, D_OUT), lambda i: (0, 0)),
        ],
        out_specs=pl.BlockSpec((BM, D_OUT), lambda i: (i, 0)),
        out_shape=jax.ShapeDtypeStruct((N_NODES, D_OUT), jnp.float32),
    )(h2, w_t, b2)


def kernel(x, edge_index, W, b):
    src = edge_index[0].astype(jnp.int32)
    dst = edge_index[1].astype(jnp.int32)
    pad = E_PAD - N_EDGES
    src_p = jnp.concatenate([src, jnp.zeros((pad,), jnp.int32)])
    dst_p = jnp.concatenate([dst, jnp.full((pad,), PROWS + TRASH, jnp.int32)])
    combo = ((src_p << DBITS) | dst_p).reshape(NS, E_PER_TILE)
    x2 = jnp.concatenate([x[:, :DH], x[:, DH:]], axis=0)
    zeros = jnp.zeros((ZROWS, DH), jnp.float32)

    h2 = _sc_agg(x2, combo, zeros)

    w_t = jnp.transpose(W)
    b2 = b.reshape(1, D_OUT)
    return _tc_linear(h2, w_t, b2)

# --- scband reference (transcript-rebuilt; emitter-appended) ---
"""Pipeline reference for scband-gcnlayer-dgl-24893630448147 (READ-ONLY COPY).

The authoritative reference and input builder live on the scoring server;
editing this copy changes nothing except your own understanding.
"""

import jax, jax.numpy as jnp
import numpy as np

N_NODES = 10000
N_EDGES = 160000
D_IN = 256
D_OUT = 256


def setup_inputs(seed: int = 0) -> dict:
    key = jax.random.key(seed)
    k1, k2, k3, k4 = jax.random.split(key, 4)
    x = jax.random.normal(k1, (N_NODES, D_IN), dtype=jnp.float32)
    edge_index = jax.random.randint(k2, (2, N_EDGES), 0, N_NODES, dtype=jnp.int64)
    # nn.Linear(in_feats, out_feats): W [out, in], b [out]
    bound = 1.0 / np.sqrt(D_IN)
    W = jax.random.uniform(k3, (D_OUT, D_IN), minval=-bound, maxval=bound, dtype=jnp.float32)
    b = jax.random.uniform(k4, (D_OUT,), minval=-bound, maxval=bound, dtype=jnp.float32)
    return {"x": x, "edge_index": edge_index, "W": W, "b": b}


def reference(x, edge_index, W, b):
    # DGL update_all(copy_src('h','m'), sum('m','h'), apply_func):
    # 1) gather source features along edges, 2) scatter-add into destination nodes,
    # 3) apply linear + relu.
    src = edge_index[0]
    dst = edge_index[1]
    msgs = jnp.take(x, src, axis=0)                       # [E, D_IN] gather
    h = jax.ops.segment_sum(msgs, dst, num_segments=N_NODES)  # [N, D_IN] scatter-add
    out = h @ W.T + b
    out = jax.nn.relu(out)
    return out

if __name__ == "__main__":
    import jax
    _d = setup_inputs()
    print(jax.jit(kernel)(*tuple(_d.values())))

</pallas_src>

<mosaic_0001>
#map = affine_map<(d0, d1) -> (0, 0)>
#map1 = affine_map<(d0, d1) -> (0, 0, 0)>
module attributes {stable_mosaic.version = 14 : i64} {
  func.func @sc_agg(%arg0: i32, %arg1: i32, %arg2: memref<20000x128xf32, #tpu.memory_space<hbm>>, %arg3: memref<16x10240xi32, #tpu.memory_space<hbm>>, %arg4: memref<328x128xf32, #tpu.memory_space<hbm>>, %arg5: memref<2x10240x128xf32, #tpu.memory_space<hbm>>, %arg6: memref<10240xi32, #tpu.memory_space<vmem>>, %arg7: memref<10496xi32, #tpu.memory_space<vmem>>, %arg8: memref<10496xi32, #tpu.memory_space<vmem>>, %arg9: memref<10496xi32, #tpu.memory_space<vmem>>, %arg10: memref<82x128xi32, #tpu.memory_space<vmem>>, %arg11: memref<128x128xf32, #tpu.memory_space<vmem>>, %arg12: memref<128x128xf32, #tpu.memory_space<vmem>>, %arg13: memref<5248x128xf32, #tpu.memory_space<vmem_shared>>, %arg14: memref<!tpu.dma_semaphore, #tpu.memory_space<semaphore_mem>>, %arg15: memref<!tpu.dma_semaphore, #tpu.memory_space<semaphore_mem>>) attributes {dimension_semantics = [#tpu.dimension_semantics<core_parallel>, #tpu.dimension_semantics<subcore_parallel>], iteration_bounds = array<i64: 2, 16>, scalar_prefetch = 0 : i64, scratch_operands = 10 : i64, tpu.core_type = #tpu.core_type<sc_vector_subcore>, window_params = [{transform_indices = #map}, {transform_indices = #map}, {transform_indices = #map}, {transform_indices = #map1}]} {
    "tpu.region"() ({
      %run_scoped3A = tpu.sem_alloc : memref<!tpu.dma_semaphore, #tpu.memory_space<semaphore_mem>>
      %dma_start3A = arith.constant 0 : i32
      %dma_start3A_117 = tpu.memref_slice %arg3[%arg1, %dma_start3A] : memref<16x10240xi32, #tpu.memory_space<hbm>> -> memref<1x10240xi32, #tpu.memory_space<hbm>>
      %dma_start3A_118 = tpu.memref_squeeze %dma_start3A_117 : memref<1x10240xi32, #tpu.memory_space<hbm>> -> memref<10240xi32, #tpu.memory_space<hbm>>
      %dma_start3A_119 = arith.constant 0 : i32
      %dma_start3A_120 = tpu.memref_slice %arg3[%arg1, %dma_start3A_119] : memref<16x10240xi32, #tpu.memory_space<hbm>> -> memref<1x10240xi32, #tpu.memory_space<hbm>>
      %dma_start3A_121 = tpu.memref_squeeze %dma_start3A_120 : memref<1x10240xi32, #tpu.memory_space<hbm>> -> memref<10240xi32, #tpu.memory_space<hbm>>
      tpu.enqueue_dma source(%dma_start3A_121 : memref<10240xi32, #tpu.memory_space<hbm>>) target(%arg6 : memref<10240xi32, #tpu.memory_space<vmem>>) target_semaphore(%run_scoped3A : memref<!tpu.dma_semaphore, #tpu.memory_space<semaphore_mem>>)
      %dma_wait3A = arith.constant 0 : i32
      %dma_wait3A_122 = tpu.memref_slice %arg3[%arg1, %dma_wait3A] : memref<16x10240xi32, #tpu.memory_space<hbm>> -> memref<1x10240xi32, #tpu.memory_space<hbm>>
      %dma_wait3A_123 = tpu.memref_squeeze %dma_wait3A_122 : memref<1x10240xi32, #tpu.memory_space<hbm>> -> memref<10240xi32, #tpu.memory_space<hbm>>
      %dma_wait3A_124 = arith.constant 0 : i32
      %dma_wait3A_125 = tpu.memref_slice %arg3[%arg1, %dma_wait3A_124] : memref<16x10240xi32, #tpu.memory_space<hbm>> -> memref<1x10240xi32, #tpu.memory_space<hbm>>
      %dma_wait3A_126 = tpu.memref_squeeze %dma_wait3A_125 : memref<1x10240xi32, #tpu.memory_space<hbm>> -> memref<10240xi32, #tpu.memory_space<hbm>>
      tpu.wait_dma2 semaphore(%run_scoped3A : memref<!tpu.dma_semaphore, #tpu.memory_space<semaphore_mem>>) src(%dma_wait3A_126 : memref<10240xi32, #tpu.memory_space<hbm>>) dst(%arg6 : memref<10240xi32, #tpu.memory_space<vmem>>)
      tpu.yield
    }) : () -> ()
    %scan3A = arith.constant 0 : i32
    %scan3A_0 = arith.constant 656 : i32
    %scan3A_1 = arith.addi %scan3A, %scan3A_0 : i32
    %scan3A_2 = arith.constant 1 : i32
    scf.for %scan3A_117 = %scan3A to %scan3A_1 step %scan3A_2  : i32 {
      %broadcast_in_dim3A_118 = arith.constant 5120 : i32
      %broadcast_in_dim3A_119 = vector.broadcast %broadcast_in_dim3A_118 : i32 to vector<16xi32>
      %mul3A_120 = arith.constant 16 : i32
      %mul3A_121 = arith.muli %scan3A_117, %mul3A_120 : i32
      %swap3A = arith.index_cast %mul3A_121 : i32 to index
      %swap3A_122 = tpu.vector_load %arg7[%swap3A] {strides = array<i32>} : memref<10496xi32, #tpu.memory_space<vmem>>, vector<16xi32>,
      tpu.vector_store %arg7[%swap3A], %broadcast_in_dim3A_119 {strides = array<i32>} : memref<10496xi32, #tpu.memory_space<vmem>>, vector<16xi32>,
      %broadcast_in_dim3A_123 = arith.constant 10240 : i32
      %broadcast_in_dim3A_124 = vector.broadcast %broadcast_in_dim3A_123 : i32 to vector<16xi32>
      %mul3A_125 = arith.constant 16 : i32
      %mul3A_126 = arith.muli %scan3A_117, %mul3A_125 : i32
      %swap3A_127 = arith.index_cast %mul3A_126 : i32 to index
      %swap3A_128 = tpu.vector_load %arg8[%swap3A_127] {strides = array<i32>} : memref<10496xi32, #tpu.memory_space<vmem>>, vector<16xi32>,
      tpu.vector_store %arg8[%swap3A_127], %broadcast_in_dim3A_124 {strides = array<i32>} : memref<10496xi32, #tpu.memory_space<vmem>>, vector<16xi32>,
    }
    %scan3A_3 = arith.constant 656 : i32
    %iota3A = tpu.iota {dimensions = array<i32: 0>} : vector<16xi32>
    %broadcast_in_dim3A = arith.constant 0 : i32
    %broadcast_in_dim3A_4 = vector.broadcast %broadcast_in_dim3A : i32 to vector<16xi32>
    %scan3A_5 = arith.constant 0 : i32
    %scan3A_6 = arith.constant 0 : i32
    %scan3A_7 = arith.constant 0 : i32
    %scan3A_8 = arith.constant 640 : i32
    %scan3A_9 = arith.addi %scan3A_7, %scan3A_8 : i32
    %scan3A_10 = arith.constant 1 : i32
    %scan3A_11:2 = scf.for %scan3A_117 = %scan3A_7 to %scan3A_9 step %scan3A_10 iter_args(%scan3A_118 = %scan3A_5, %scan3A_119 = %scan3A_6) -> (i32, i32)  : i32 {
      %mul3A_120 = arith.constant 16 : i32
      %mul3A_121 = arith.muli %scan3A_117, %mul3A_120 : i32
      %get3A = arith.index_cast %mul3A_121 : i32 to index
      %get3A_122 = tpu.vector_load %arg6[%get3A] {strides = array<i32>} : memref<10240xi32, #tpu.memory_space<vmem>>, vector<16xi32>,
      %and3A_123 = arith.constant 16383 : i32
      %and3A_124 = vector.broadcast %and3A_123 : i32 to vector<16xi32>
      %and3A_125 = arith.andi %get3A_122, %and3A_124 : vector<16xi32>
      %lt3A = arith.constant 5120 : i32
      %lt3A_126 = vector.broadcast %lt3A : i32 to vector<16xi32>
      %lt3A_127 = arith.cmpi slt, %and3A_125, %lt3A_126 : vector<16xi32>
      %convert_element_type3A_128 = arith.extui %lt3A_127 : vector<16xi1> to vector<16xi32>
      %broadcast_in_dim3A_129 = arith.constant true
      %broadcast_in_dim3A_130 = vector.broadcast %broadcast_in_dim3A_129 : i1 to vector<16xi1>
      %masked_cumsum3A = tpu.scan <sum>, %convert_element_type3A_128 masked %broadcast_in_dim3A_130 : vector<16xi32>, vector<16xi1> -> vector<16xi32>
      %add3A_131 = vector.broadcast %scan3A_118 : i32 to vector<16xi32>
      %add3A_132 = arith.addi %add3A_131, %masked_cumsum3A : vector<16xi32>
      %sub3A_133 = arith.constant 1 : i32
      %sub3A_134 = vector.broadcast %sub3A_133 : i32 to vector<16xi32>
      %sub3A_135 = arith.subi %add3A_132, %sub3A_134 : vector<16xi32>
      %add3A_136 = vector.broadcast %scan3A_119 : i32 to vector<16xi32>
      %add3A_137 = arith.addi %add3A_136, %iota3A : vector<16xi32>
      %sub3A_138 = arith.subi %add3A_137, %masked_cumsum3A : vector<16xi32>
      %select_n3A_139 = arith.select %lt3A_127, %sub3A_135, %broadcast_in_dim3A_4 : vector<16xi1>, vector<16xi32>
      tpu.vector_store_idx %arg7[%select_n3A_139], %get3A_122 masked %lt3A_127 : memref<10496xi32, #tpu.memory_space<vmem>>[vector<16xi32>], vector<16xi32>, vector<16xi1>
      %select_n3A_140 = arith.select %lt3A_127, %broadcast_in_dim3A_4, %sub3A_138 : vector<16xi1>, vector<16xi32>
      %not3A = arith.constant dense<true> : vector<16xi1>
      %not3A_141 = arith.xori %lt3A_127, %not3A : vector<16xi1>
      tpu.vector_store_idx %arg8[%select_n3A_140], %get3A_122 masked %not3A_141 : memref<10496xi32, #tpu.memory_space<vmem>>[vector<16xi32>], vector<16xi32>, vector<16xi1>
      %slice3A = vector.extract_strided_slice %masked_cumsum3A {offsets = [15], sizes = [1], strides = [1]} : vector<16xi32> to vector<1xi32>
      %squeeze3A = vector.extract %slice3A[0] : i32 from vector<1xi32>
      %add3A_142 = arith.addi %scan3A_118, %squeeze3A : i32
      %sub3A_143 = arith.constant 16 : i32
      %sub3A_144 = arith.subi %sub3A_143, %squeeze3A : i32
      %add3A_145 = arith.addi %scan3A_119, %sub3A_144 : i32
      scf.yield %add3A_142, %add3A_145 : i32, i32
    }
    %scan3A_12 = arith.constant 640 : i32
    %add3A = arith.constant 128 : i32
    %add3A_13 = arith.addi %scan3A_11#0, %add3A : i32
    %sub3A = arith.constant 1 : i32
    %sub3A_14 = arith.subi %add3A_13, %sub3A : i32
    %jit3A = arith.constant 128 : i32
    %div3A = arith.divsi %sub3A_14, %jit3A : i32
    %sign3A = arith.constant 0 : i32
    %sign3A_15 = arith.cmpi sgt, %sub3A_14, %sign3A : i32
    %sign3A_16 = arith.extui %sign3A_15 : i1 to i32
    %sign3A_17 = arith.constant 0 : i32
    %sign3A_18 = arith.cmpi slt, %sub3A_14, %sign3A_17 : i32
    %sign3A_19 = arith.extui %sign3A_18 : i1 to i32
    %sign3A_20 = arith.subi %sign3A_16, %sign3A_19 : i32
    %sign3A_21 = arith.constant 0 : i32
    %sign3A_22 = arith.cmpi sgt, %jit3A, %sign3A_21 : i32
    %sign3A_23 = arith.extui %sign3A_22 : i1 to i32
    %sign3A_24 = arith.constant 0 : i32
    %sign3A_25 = arith.cmpi slt, %jit3A, %sign3A_24 : i32
    %sign3A_26 = arith.extui %sign3A_25 : i1 to i32
    %sign3A_27 = arith.subi %sign3A_23, %sign3A_26 : i32
    %ne3A = arith.cmpi ne, %sign3A_20, %sign3A_27 : i32
    %rem3A = arith.remsi %sub3A_14, %jit3A : i32
    %ne3A_28 = arith.constant 0 : i32
    %ne3A_29 = arith.cmpi ne, %rem3A, %ne3A_28 : i32
    %and3A = arith.andi %ne3A, %ne3A_29 : i1
    %sub3A_30 = arith.constant 1 : i32
    %sub3A_31 = arith.subi %div3A, %sub3A_30 : i32
    %select_n3A = arith.select %and3A, %sub3A_31, %div3A : i32
    %barrier3A = arith.constant 0 : index
    tpu.barrier barrier_id(%barrier3A)
    %mul3A = arith.constant 328 : i32
    %mul3A_32 = arith.muli %arg1, %mul3A : i32
    "tpu.region"() ({
      %run_scoped3A = tpu.sem_alloc : memref<!tpu.dma_semaphore, #tpu.memory_space<semaphore_mem>>
      %dma_start3A = arith.constant 0 : i32
      %dma_start3A_117 = tpu.memref_slice %arg13[%mul3A_32, %dma_start3A] : memref<5248x128xf32, #tpu.memory_space<vmem_shared>> -> memref<328x128xf32, #tpu.memory_space<vmem_shared>>
      tpu.enqueue_dma source(%arg4 : memref<328x128xf32, #tpu.memory_space<hbm>>) target(%dma_start3A_117 : memref<328x128xf32, #tpu.memory_space<vmem_shared>>) target_semaphore(%run_scoped3A : memref<!tpu.dma_semaphore, #tpu.memory_space<semaphore_mem>>)
      %dma_wait3A = arith.constant 0 : i32
      %dma_wait3A_118 = tpu.memref_slice %arg13[%mul3A_32, %dma_wait3A] : memref<5248x128xf32, #tpu.memory_space<vmem_shared>> -> memref<328x128xf32, #tpu.memory_space<vmem_shared>>
      tpu.wait_dma2 semaphore(%run_scoped3A : memref<!tpu.dma_semaphore, #tpu.memory_space<semaphore_mem>>) src(%arg4 : memref<328x128xf32, #tpu.memory_space<hbm>>) dst(%dma_wait3A_118 : memref<328x128xf32, #tpu.memory_space<vmem_shared>>)
      tpu.yield
    }) : () -> ()
    %scan3A_33 = arith.constant 0 : i32
    %scan3A_34 = arith.constant 656 : i32
    %scan3A_35 = arith.addi %scan3A_33, %scan3A_34 : i32
    %scan3A_36 = arith.constant 1 : i32
    scf.for %scan3A_117 = %scan3A_33 to %scan3A_35 step %scan3A_36  : i32 {
      %mul3A_118 = arith.constant 16 : i32
      %mul3A_119 = arith.muli %scan3A_117, %mul3A_118 : i32
      %get3A = arith.index_cast %mul3A_119 : i32 to index
      %get3A_120 = tpu.vector_load %arg7[%get3A] {strides = array<i32>} : memref<10496xi32, #tpu.memory_space<vmem>>, vector<16xi32>,
      %shift_right_arithmetic3A = arith.constant 14 : i32
      %shift_right_arithmetic3A_121 = vector.broadcast %shift_right_arithmetic3A : i32 to vector<16xi32>
      %shift_right_arithmetic3A_122 = arith.shrsi %get3A_120, %shift_right_arithmetic3A_121 : vector<16xi32>
      %mul3A_123 = arith.constant 10000 : i32
      %mul3A_124 = arith.muli %arg0, %mul3A_123 : i32
      %add3A_125 = vector.broadcast %mul3A_124 : i32 to vector<16xi32>
      %add3A_126 = arith.addi %shift_right_arithmetic3A_122, %add3A_125 : vector<16xi32>
      %mul3A_127 = arith.constant 16 : i32
      %mul3A_128 = arith.muli %scan3A_117, %mul3A_127 : i32
      %swap3A = arith.index_cast %mul3A_128 : i32 to index
      %swap3A_129 = tpu.vector_load %arg9[%swap3A] {strides = array<i32>} : memref<10496xi32, #tpu.memory_space<vmem>>, vector<16xi32>,
      tpu.vector_store %arg9[%swap3A], %add3A_126 {strides = array<i32>} : memref<10496xi32, #tpu.memory_space<vmem>>, vector<16xi32>,
      %and3A_130 = arith.constant 16383 : i32
      %and3A_131 = vector.broadcast %and3A_130 : i32 to vector<16xi32>
      %and3A_132 = arith.andi %get3A_120, %and3A_131 : vector<16xi32>
      %sub3A_133 = arith.constant 0 : i32
      %sub3A_134 = vector.broadcast %sub3A_133 : i32 to vector<16xi32>
      %sub3A_135 = arith.subi %and3A_132, %sub3A_134 : vector<16xi32>
      %ge3A = arith.constant 0 : i32
      %ge3A_136 = vector.broadcast %ge3A : i32 to vector<16xi32>
      %ge3A_137 = arith.cmpi sge, %sub3A_135, %ge3A_136 : vector<16xi32>
      %lt3A = arith.constant 5120 : i32
      %lt3A_138 = vector.broadcast %lt3A : i32 to vector<16xi32>
      %lt3A_139 = arith.cmpi slt, %sub3A_135, %lt3A_138 : vector<16xi32>
      %and3A_140 = arith.andi %ge3A_137, %lt3A_139 : vector<16xi1>
      %jit3A_141 = arith.constant 5120 : i32
      %broadcast_in_dim3A_142 = vector.broadcast %jit3A_141 : i32 to vector<16xi32>
      %select_n3A_143 = arith.select %and3A_140, %sub3A_135, %broadcast_in_dim3A_142 : vector<16xi1>, vector<16xi32>
      %jit3A_144 = arith.constant 8 : i32
      %div3A_145 = arith.divsi %scan3A_117, %jit3A_144 : i32
      %sign3A_146 = arith.constant 0 : i32
      %sign3A_147 = arith.cmpi sgt, %scan3A_117, %sign3A_146 : i32
      %sign3A_148 = arith.extui %sign3A_147 : i1 to i32
      %sign3A_149 = arith.constant 0 : i32
      %sign3A_150 = arith.cmpi slt, %scan3A_117, %sign3A_149 : i32
      %sign3A_151 = arith.extui %sign3A_150 : i1 to i32
      %sign3A_152 = arith.subi %sign3A_148, %sign3A_151 : i32
      %sign3A_153 = arith.constant 0 : i32
      %sign3A_154 = arith.cmpi sgt, %jit3A_144, %sign3A_153 : i32
      %sign3A_155 = arith.extui %sign3A_154 : i1 to i32
      %sign3A_156 = arith.constant 0 : i32
      %sign3A_157 = arith.cmpi slt, %jit3A_144, %sign3A_156 : i32
      %sign3A_158 = arith.extui %sign3A_157 : i1 to i32
      %sign3A_159 = arith.subi %sign3A_155, %sign3A_158 : i32
      %ne3A_160 = arith.cmpi ne, %sign3A_152, %sign3A_159 : i32
      %rem3A_161 = arith.remsi %scan3A_117, %jit3A_144 : i32
      %ne3A_162 = arith.constant 0 : i32
      %ne3A_163 = arith.cmpi ne, %rem3A_161, %ne3A_162 : i32
      %and3A_164 = arith.andi %ne3A_160, %ne3A_163 : i1
      %sub3A_165 = arith.constant 1 : i32
      %sub3A_166 = arith.subi %div3A_145, %sub3A_165 : i32
      %select_n3A_167 = arith.select %and3A_164, %sub3A_166, %div3A_145 : i32
      %jit3A_168 = arith.constant 8 : i32
      %eq3A = arith.constant 0 : i32
      %eq3A_169 = arith.cmpi eq, %jit3A_168, %eq3A : i32
      %jit3A_170 = arith.constant 1 : i32
      %select_n3A_171 = arith.select %eq3A_169, %jit3A_170, %jit3A_168 : i32
      %rem3A_172 = arith.remsi %scan3A_117, %select_n3A_171 : i32
      %ne3A_173 = arith.constant 0 : i32
      %ne3A_174 = arith.cmpi ne, %rem3A_172, %ne3A_173 : i32
      %lt3A_175 = arith.constant 0 : i32
      %lt3A_176 = arith.cmpi slt, %rem3A_172, %lt3A_175 : i32
      %lt3A_177 = arith.constant 0 : i32
      %lt3A_178 = arith.cmpi slt, %select_n3A_171, %lt3A_177 : i32
      %ne3A_179 = arith.xori %lt3A_176, %lt3A_178 : i1
      %and3A_180 = arith.andi %ne3A_179, %ne3A_174 : i1
      %add3A_181 = arith.addi %rem3A_172, %select_n3A_171 : i32
      %select_n3A_182 = arith.select %and3A_180, %add3A_181, %rem3A_172 : i32
      %mul3A_183 = arith.constant 16 : i32
      %mul3A_184 = arith.muli %select_n3A_182, %mul3A_183 : i32
      %swap3A_185 = arith.index_cast %select_n3A_167 : i32 to index
      %swap3A_186 = arith.index_cast %mul3A_184 : i32 to index
      %swap3A_187 = tpu.vector_load %arg10[%swap3A_185, %swap3A_186] {strides = array<i32>} : memref<82x128xi32, #tpu.memory_space<vmem>>, vector<16xi32>,
      tpu.vector_store %arg10[%swap3A_185, %swap3A_186], %select_n3A_143 {strides = array<i32>} : memref<82x128xi32, #tpu.memory_space<vmem>>, vector<16xi32>,
    }
    %scan3A_37 = arith.constant 656 : i32
    %barrier3A_38 = arith.constant 0 : index
    tpu.barrier barrier_id(%barrier3A_38)
    %gt3A = arith.constant 0 : i32
    %gt3A_39 = arith.cmpi sgt, %select_n3A, %gt3A : i32
    %convert_element_type3A = arith.extui %gt3A_39 : i1 to i32
    %cond3A = arith.constant 0 : i32
    %cond3A_40 = arith.cmpi ne, %convert_element_type3A, %cond3A : i32
    scf.if %cond3A_40 {
      %dma_start3A = arith.constant 0 : i32
      %dma_start3A_117 = tpu.memref_slice %arg9[%dma_start3A] : memref<10496xi32, #tpu.memory_space<vmem>> -> memref<128xi32, #tpu.memory_space<vmem>>
      %dma_start3A_118 = arith.constant 0 : i32
      %dma_start3A_119 = arith.constant 0 : i32
      %dma_start3A_120 = tpu.memref_slice %arg2[%dma_start3A_118, %dma_start3A_119] : memref<20000x128xf32, #tpu.memory_space<hbm>> -> memref<20000x128xf32, #tpu.memory_space<hbm>>
      tpu.enqueue_indirect_dma source(%dma_start3A_120 : memref<20000x128xf32, #tpu.memory_space<hbm>>) target(%arg11 : memref<128x128xf32, #tpu.memory_space<vmem>>) offsets(%dma_start3A_117 : memref<128xi32, #tpu.memory_space<vmem>>) semaphore(%arg14 : memref<!tpu.dma_semaphore, #tpu.memory_space<semaphore_mem>>)
    } else {
    }
    %gt3A_41 = arith.constant 1 : i32
    %gt3A_42 = arith.cmpi sgt, %select_n3A, %gt3A_41 : i32
    %convert_element_type3A_43 = arith.extui %gt3A_42 : i1 to i32
    %cond3A_44 = arith.constant 0 : i32
    %cond3A_45 = arith.cmpi ne, %convert_element_type3A_43, %cond3A_44 : i32
    scf.if %cond3A_45 {
      %dma_start3A = arith.constant 128 : i32
      %dma_start3A_117 = tpu.memref_slice %arg9[%dma_start3A] : memref<10496xi32, #tpu.memory_space<vmem>> -> memref<128xi32, #tpu.memory_space<vmem>>
      %dma_start3A_118 = arith.constant 0 : i32
      %dma_start3A_119 = arith.constant 0 : i32
      %dma_start3A_120 = tpu.memref_slice %arg2[%dma_start3A_118, %dma_start3A_119] : memref<20000x128xf32, #tpu.memory_space<hbm>> -> memref<20000x128xf32, #tpu.memory_space<hbm>>
      tpu.enqueue_indirect_dma source(%dma_start3A_120 : memref<20000x128xf32, #tpu.memory_space<hbm>>) target(%arg12 : memref<128x128xf32, #tpu.memory_space<vmem>>) offsets(%dma_start3A_117 : memref<128xi32, #tpu.memory_space<vmem>>) semaphore(%arg15 : memref<!tpu.dma_semaphore, #tpu.memory_space<semaphore_mem>>)
    } else {
    }
    %scan3A_46 = arith.constant 0 : i32
    %scan3A_47 = arith.constant 41 : i32
    %scan3A_48 = arith.addi %scan3A_46, %scan3A_47 : i32
    %scan3A_49 = arith.constant 1 : i32
    scf.for %scan3A_117 = %scan3A_46 to %scan3A_48 step %scan3A_49  : i32 {
      %mul3A_118 = arith.constant 2 : i32
      %mul3A_119 = arith.muli %mul3A_118, %scan3A_117 : i32
      %add3A_120 = arith.constant 0 : i32
      %add3A_121 = arith.addi %mul3A_119, %add3A_120 : i32
      %lt3A = arith.cmpi slt, %add3A_121, %select_n3A : i32
      %convert_element_type3A_122 = arith.extui %lt3A : i1 to i32
      %cond3A_123 = arith.constant 0 : i32
      %cond3A_124 = arith.cmpi ne, %convert_element_type3A_122, %cond3A_123 : i32
      scf.if %cond3A_124 {
        %mul3A_133 = arith.constant 128 : i32
        %mul3A_134 = arith.muli %add3A_121, %mul3A_133 : i32
        %dma_wait3A = tpu.memref_slice %arg9[%mul3A_134] : memref<10496xi32, #tpu.memory_space<vmem>> -> memref<128xi32, #tpu.memory_space<vmem>>
        %dma_wait3A_135 = arith.constant 0 : i32
        %dma_wait3A_136 = arith.constant 0 : i32
        %dma_wait3A_137 = tpu.memref_slice %arg2[%dma_wait3A_135, %dma_wait3A_136] : memref<20000x128xf32, #tpu.memory_space<hbm>> -> memref<20000x128xf32, #tpu.memory_space<hbm>>
        tpu.wait_indirect_dma semaphore(%arg14 : memref<!tpu.dma_semaphore, #tpu.memory_space<semaphore_mem>>) src(%dma_wait3A_137 : memref<20000x128xf32, #tpu.memory_space<hbm>>) dst(%arg11 : memref<128x128xf32, #tpu.memory_space<vmem>>)
        "tpu.region"() ({
          %run_scoped3A = tpu.sem_alloc : memref<!tpu.dma_semaphore, #tpu.memory_space<semaphore_mem>>
          %dma_start3A = arith.constant 0 : i32
          %dma_start3A_144 = tpu.memref_slice %arg10[%add3A_121, %dma_start3A] : memref<82x128xi32, #tpu.memory_space<vmem>> -> memref<1x128xi32, #tpu.memory_space<vmem>>
          %dma_start3A_145 = tpu.memref_squeeze %dma_start3A_144 : memref<1x128xi32, #tpu.memory_space<vmem>> -> memref<128xi32, #tpu.memory_space<vmem>>
          %dma_start3A_146 = arith.constant 0 : i32
          %dma_start3A_147 = arith.constant 0 : i32
          %dma_start3A_148 = tpu.memref_slice %arg13[%dma_start3A_146, %dma_start3A_147] : memref<5248x128xf32, #tpu.memory_space<vmem_shared>> -> memref<5248x128xf32, #tpu.memory_space<vmem_shared>>
          tpu.enqueue_indirect_dma source(%arg11 : memref<128x128xf32, #tpu.memory_space<vmem>>) target(%dma_start3A_148 : memref<5248x128xf32, #tpu.memory_space<vmem_shared>>) offsets(%dma_start3A_145 : memref<128xi32, #tpu.memory_space<vmem>>) semaphore(%run_scoped3A : memref<!tpu.dma_semaphore, #tpu.memory_space<semaphore_mem>>) {add = true}
          %dma_wait3A_149 = arith.constant 0 : i32
          %dma_wait3A_150 = tpu.memref_slice %arg10[%add3A_121, %dma_wait3A_149] : memref<82x128xi32, #tpu.memory_space<vmem>> -> memref<1x128xi32, #tpu.memory_space<vmem>>
          %dma_wait3A_151 = tpu.memref_squeeze %dma_wait3A_150 : memref<1x128xi32, #tpu.memory_space<vmem>> -> memref<128xi32, #tpu.memory_space<vmem>>
          %dma_wait3A_152 = arith.constant 0 : i32
          %dma_wait3A_153 = arith.constant 0 : i32
          %dma_wait3A_154 = tpu.memref_slice %arg13[%dma_wait3A_152, %dma_wait3A_153] : memref<5248x128xf32, #tpu.memory_space<vmem_shared>> -> memref<5248x128xf32, #tpu.memory_space<vmem_shared>>
          tpu.wait_indirect_dma semaphore(%run_scoped3A : memref<!tpu.dma_semaphore, #tpu.memory_space<semaphore_mem>>) src(%arg11 : memref<128x128xf32, #tpu.memory_space<vmem>>) dst(%dma_wait3A_154 : memref<5248x128xf32, #tpu.memory_space<vmem_shared>>)
          tpu.yield
        }) : () -> ()
        %add3A_138 = arith.constant 2 : i32
        %add3A_139 = arith.addi %add3A_121, %add3A_138 : i32
        %lt3A_140 = arith.cmpi slt, %add3A_139, %select_n3A : i32
        %convert_element_type3A_141 = arith.extui %lt3A_140 : i1 to i32
        %cond3A_142 = arith.constant 0 : i32
        %cond3A_143 = arith.cmpi ne, %convert_element_type3A_141, %cond3A_142 : i32
        scf.if %cond3A_143 {
          %mul3A_144 = arith.constant 128 : i32
          %mul3A_145 = arith.muli %add3A_139, %mul3A_144 : i32
          %dma_start3A = tpu.memref_slice %arg9[%mul3A_145] : memref<10496xi32, #tpu.memory_space<vmem>> -> memref<128xi32, #tpu.memory_space<vmem>>
          %dma_start3A_146 = arith.constant 0 : i32
          %dma_start3A_147 = arith.constant 0 : i32
          %dma_start3A_148 = tpu.memref_slice %arg2[%dma_start3A_146, %dma_start3A_147] : memref<20000x128xf32, #tpu.memory_space<hbm>> -> memref<20000x128xf32, #tpu.memory_space<hbm>>
          tpu.enqueue_indirect_dma source(%dma_start3A_148 : memref<20000x128xf32, #tpu.memory_space<hbm>>) target(%arg11 : memref<128x128xf32, #tpu.memory_space<vmem>>) offsets(%dma_start3A : memref<128xi32, #tpu.memory_space<vmem>>) semaphore(%arg14 : memref<!tpu.dma_semaphore, #tpu.memory_space<semaphore_mem>>)
        } else {
        }
      } else {
      }
      %mul3A_125 = arith.constant 2 : i32
      %mul3A_126 = arith.muli %mul3A_125, %scan3A_117 : i32
      %add3A_127 = arith.constant 1 : i32
      %add3A_128 = arith.addi %mul3A_126, %add3A_127 : i32
      %lt3A_129 = arith.cmpi slt, %add3A_128, %select_n3A : i32
      %convert_element_type3A_130 = arith.extui %lt3A_129 : i1 to i32
      %cond3A_131 = arith.constant 0 : i32
      %cond3A_132 = arith.cmpi ne, %convert_element_type3A_130, %cond3A_131 : i32
      scf.if %cond3A_132 {
        %mul3A_133 = arith.constant 128 : i32
        %mul3A_134 = arith.muli %add3A_128, %mul3A_133 : i32
        %dma_wait3A = tpu.memref_slice %arg9[%mul3A_134] : memref<10496xi32, #tpu.memory_space<vmem>> -> memref<128xi32, #tpu.memory_space<vmem>>
        %dma_wait3A_135 = arith.constant 0 : i32
        %dma_wait3A_136 = arith.constant 0 : i32
        %dma_wait3A_137 = tpu.memref_slice %arg2[%dma_wait3A_135, %dma_wait3A_136] : memref<20000x128xf32, #tpu.memory_space<hbm>> -> memref<20000x128xf32, #tpu.memory_space<hbm>>
        tpu.wait_indirect_dma semaphore(%arg15 : memref<!tpu.dma_semaphore, #tpu.memory_space<semaphore_mem>>) src(%dma_wait3A_137 : memref<20000x128xf32, #tpu.memory_space<hbm>>) dst(%arg12 : memref<128x128xf32, #tpu.memory_space<vmem>>)
        "tpu.region"() ({
          %run_scoped3A = tpu.sem_alloc : memref<!tpu.dma_semaphore, #tpu.memory_space<semaphore_mem>>
          %dma_start3A = arith.constant 0 : i32
          %dma_start3A_144 = tpu.memref_slice %arg10[%add3A_128, %dma_start3A] : memref<82x128xi32, #tpu.memory_space<vmem>> -> memref<1x128xi32, #tpu.memory_space<vmem>>
          %dma_start3A_145 = tpu.memref_squeeze %dma_start3A_144 : memref<1x128xi32, #tpu.memory_space<vmem>> -> memref<128xi32, #tpu.memory_space<vmem>>
          %dma_start3A_146 = arith.constant 0 : i32
          %dma_start3A_147 = arith.constant 0 : i32
          %dma_start3A_148 = tpu.memref_slice %arg13[%dma_start3A_146, %dma_start3A_147] : memref<5248x128xf32, #tpu.memory_space<vmem_shared>> -> memref<5248x128xf32, #tpu.memory_space<vmem_shared>>
          tpu.enqueue_indirect_dma source(%arg12 : memref<128x128xf32, #tpu.memory_space<vmem>>) target(%dma_start3A_148 : memref<5248x128xf32, #tpu.memory_space<vmem_shared>>) offsets(%dma_start3A_145 : memref<128xi32, #tpu.memory_space<vmem>>) semaphore(%run_scoped3A : memref<!tpu.dma_semaphore, #tpu.memory_space<semaphore_mem>>) {add = true}
          %dma_wait3A_149 = arith.constant 0 : i32
          %dma_wait3A_150 = tpu.memref_slice %arg10[%add3A_128, %dma_wait3A_149] : memref<82x128xi32, #tpu.memory_space<vmem>> -> memref<1x128xi32, #tpu.memory_space<vmem>>
          %dma_wait3A_151 = tpu.memref_squeeze %dma_wait3A_150 : memref<1x128xi32, #tpu.memory_space<vmem>> -> memref<128xi32, #tpu.memory_space<vmem>>
          %dma_wait3A_152 = arith.constant 0 : i32
          %dma_wait3A_153 = arith.constant 0 : i32
          %dma_wait3A_154 = tpu.memref_slice %arg13[%dma_wait3A_152, %dma_wait3A_153] : memref<5248x128xf32, #tpu.memory_space<vmem_shared>> -> memref<5248x128xf32, #tpu.memory_space<vmem_shared>>
          tpu.wait_indirect_dma semaphore(%run_scoped3A : memref<!tpu.dma_semaphore, #tpu.memory_space<semaphore_mem>>) src(%arg12 : memref<128x128xf32, #tpu.memory_space<vmem>>) dst(%dma_wait3A_154 : memref<5248x128xf32, #tpu.memory_space<vmem_shared>>)
          tpu.yield
        }) : () -> ()
        %add3A_138 = arith.constant 2 : i32
        %add3A_139 = arith.addi %add3A_128, %add3A_138 : i32
        %lt3A_140 = arith.cmpi slt, %add3A_139, %select_n3A : i32
        %convert_element_type3A_141 = arith.extui %lt3A_140 : i1 to i32
        %cond3A_142 = arith.constant 0 : i32
        %cond3A_143 = arith.cmpi ne, %convert_element_type3A_141, %cond3A_142 : i32
        scf.if %cond3A_143 {
          %mul3A_144 = arith.constant 128 : i32
          %mul3A_145 = arith.muli %add3A_139, %mul3A_144 : i32
          %dma_start3A = tpu.memref_slice %arg9[%mul3A_145] : memref<10496xi32, #tpu.memory_space<vmem>> -> memref<128xi32, #tpu.memory_space<vmem>>
          %dma_start3A_146 = arith.constant 0 : i32
          %dma_start3A_147 = arith.constant 0 : i32
          %dma_start3A_148 = tpu.memref_slice %arg2[%dma_start3A_146, %dma_start3A_147] : memref<20000x128xf32, #tpu.memory_space<hbm>> -> memref<20000x128xf32, #tpu.memory_space<hbm>>
          tpu.enqueue_indirect_dma source(%dma_start3A_148 : memref<20000x128xf32, #tpu.memory_space<hbm>>) target(%arg12 : memref<128x128xf32, #tpu.memory_space<vmem>>) offsets(%dma_start3A : memref<128xi32, #tpu.memory_space<vmem>>) semaphore(%arg15 : memref<!tpu.dma_semaphore, #tpu.memory_space<semaphore_mem>>)
        } else {
        }
      } else {
      }
    }
    %scan3A_50 = arith.constant 41 : i32
    %barrier3A_51 = arith.constant 0 : index
    tpu.barrier barrier_id(%barrier3A_51)
    %mul3A_52 = arith.constant 320 : i32
    %mul3A_53 = arith.muli %arg1, %mul3A_52 : i32
    %mul3A_54 = arith.constant 320 : i32
    %mul3A_55 = arith.muli %arg1, %mul3A_54 : i32
    %add3A_56 = arith.constant 0 : i32
    %add3A_57 = arith.addi %add3A_56, %mul3A_55 : i32
    "tpu.region"() ({
      %run_scoped3A = tpu.sem_alloc : memref<!tpu.dma_semaphore, #tpu.memory_space<semaphore_mem>>
      %dma_start3A = arith.constant 0 : i32
      %dma_start3A_117 = tpu.memref_slice %arg5[%arg0, %add3A_57, %dma_start3A] : memref<2x10240x128xf32, #tpu.memory_space<hbm>> -> memref<1x320x128xf32, #tpu.memory_space<hbm>>
      %dma_start3A_118 = tpu.memref_squeeze %dma_start3A_117 : memref<1x320x128xf32, #tpu.memory_space<hbm>> -> memref<320x128xf32, #tpu.memory_space<hbm>>
      %dma_start3A_119 = arith.constant 0 : i32
      %dma_start3A_120 = tpu.memref_slice %arg13[%mul3A_53, %dma_start3A_119] : memref<5248x128xf32, #tpu.memory_space<vmem_shared>> -> memref<320x128xf32, #tpu.memory_space<vmem_shared>>
      tpu.enqueue_dma source(%dma_start3A_120 : memref<320x128xf32, #tpu.memory_space<vmem_shared>>) target(%dma_start3A_118 : memref<320x128xf32, #tpu.memory_space<hbm>>) target_semaphore(%run_scoped3A : memref<!tpu.dma_semaphore, #tpu.memory_space<semaphore_mem>>)
      %dma_wait3A = arith.constant 0 : i32
      %dma_wait3A_121 = tpu.memref_slice %arg5[%arg0, %add3A_57, %dma_wait3A] : memref<2x10240x128xf32, #tpu.memory_space<hbm>> -> memref<1x320x128xf32, #tpu.memory_space<hbm>>
      %dma_wait3A_122 = tpu.memref_squeeze %dma_wait3A_121 : memref<1x320x128xf32, #tpu.memory_space<hbm>> -> memref<320x128xf32, #tpu.memory_space<hbm>>
      %dma_wait3A_123 = arith.constant 0 : i32
      %dma_wait3A_124 = tpu.memref_slice %arg13[%mul3A_53, %dma_wait3A_123] : memref<5248x128xf32, #tpu.memory_space<vmem_shared>> -> memref<320x128xf32, #tpu.memory_space<vmem_shared>>
      tpu.wait_dma2 semaphore(%run_scoped3A : memref<!tpu.dma_semaphore, #tpu.memory_space<semaphore_mem>>) src(%dma_wait3A_124 : memref<320x128xf32, #tpu.memory_space<vmem_shared>>) dst(%dma_wait3A_122 : memref<320x128xf32, #tpu.memory_space<hbm>>)
      tpu.yield
    }) : () -> ()
    %add3A_58 = arith.constant 128 : i32
    %add3A_59 = arith.addi %scan3A_11#1, %add3A_58 : i32
    %sub3A_60 = arith.constant 1 : i32
    %sub3A_61 = arith.subi %add3A_59, %sub3A_60 : i32
    %jit3A_62 = arith.constant 128 : i32
    %div3A_63 = arith.divsi %sub3A_61, %jit3A_62 : i32
    %sign3A_64 = arith.constant 0 : i32
    %sign3A_65 = arith.cmpi sgt, %sub3A_61, %sign3A_64 : i32
    %sign3A_66 = arith.extui %sign3A_65 : i1 to i32
    %sign3A_67 = arith.constant 0 : i32
    %sign3A_68 = arith.cmpi slt, %sub3A_61, %sign3A_67 : i32
    %sign3A_69 = arith.extui %sign3A_68 : i1 to i32
    %sign3A_70 = arith.subi %sign3A_66, %sign3A_69 : i32
    %sign3A_71 = arith.constant 0 : i32
    %sign3A_72 = arith.cmpi sgt, %jit3A_62, %sign3A_71 : i32
    %sign3A_73 = arith.extui %sign3A_72 : i1 to i32
    %sign3A_74 = arith.constant 0 : i32
    %sign3A_75 = arith.cmpi slt, %jit3A_62, %sign3A_74 : i32
    %sign3A_76 = arith.extui %sign3A_75 : i1 to i32
    %sign3A_77 = arith.subi %sign3A_73, %sign3A_76 : i32
    %ne3A_78 = arith.cmpi ne, %sign3A_70, %sign3A_77 : i32
    %rem3A_79 = arith.remsi %sub3A_61, %jit3A_62 : i32
    %ne3A_80 = arith.constant 0 : i32
    %ne3A_81 = arith.cmpi ne, %rem3A_79, %ne3A_80 : i32
    %and3A_82 = arith.andi %ne3A_78, %ne3A_81 : i1
    %sub3A_83 = arith.constant 1 : i32
    %sub3A_84 = arith.subi %div3A_63, %sub3A_83 : i32
    %select_n3A_85 = arith.select %and3A_82, %sub3A_84, %div3A_63 : i32
    %barrier3A_86 = arith.constant 0 : index
    tpu.barrier barrier_id(%barrier3A_86)
    %mul3A_87 = arith.constant 328 : i32
    %mul3A_88 = arith.muli %arg1, %mul3A_87 : i32
    "tpu.region"() ({
      %run_scoped3A = tpu.sem_alloc : memref<!tpu.dma_semaphore, #tpu.memory_space<semaphore_mem>>
      %dma_start3A = arith.constant 0 : i32
      %dma_start3A_117 = tpu.memref_slice %arg13[%mul3A_88, %dma_start3A] : memref<5248x128xf32, #tpu.memory_space<vmem_shared>> -> memref<328x128xf32, #tpu.memory_space<vmem_shared>>
      tpu.enqueue_dma source(%arg4 : memref<328x128xf32, #tpu.memory_space<hbm>>) target(%dma_start3A_117 : memref<328x128xf32, #tpu.memory_space<vmem_shared>>) target_semaphore(%run_scoped3A : memref<!tpu.dma_semaphore, #tpu.memory_space<semaphore_mem>>)
      %dma_wait3A = arith.constant 0 : i32
      %dma_wait3A_118 = tpu.memref_slice %arg13[%mul3A_88, %dma_wait3A] : memref<5248x128xf32, #tpu.memory_space<vmem_shared>> -> memref<328x128xf32, #tpu.memory_space<vmem_shared>>
      tpu.wait_dma2 semaphore(%run_scoped3A : memref<!tpu.dma_semaphore, #tpu.memory_space<semaphore_mem>>) src(%arg4 : memref<328x128xf32, #tpu.memory_space<hbm>>) dst(%dma_wait3A_118 : memref<328x128xf32, #tpu.memory_space<vmem_shared>>)
      tpu.yield
    }) : () -> ()
    %scan3A_89 = arith.constant 0 : i32
    %scan3A_90 = arith.constant 656 : i32
    %scan3A_91 = arith.addi %scan3A_89, %scan3A_90 : i32
    %scan3A_92 = arith.constant 1 : i32
    scf.for %scan3A_117 = %scan3A_89 to %scan3A_91 step %scan3A_92  : i32 {
      %mul3A_118 = arith.constant 16 : i32
      %mul3A_119 = arith.muli %scan3A_117, %mul3A_118 : i32
      %get3A = arith.index_cast %mul3A_119 : i32 to index
      %get3A_120 = tpu.vector_load %arg8[%get3A] {strides = array<i32>} : memref<10496xi32, #tpu.memory_space<vmem>>, vector<16xi32>,
      %shift_right_arithmetic3A = arith.constant 14 : i32
      %shift_right_arithmetic3A_121 = vector.broadcast %shift_right_arithmetic3A : i32 to vector<16xi32>
      %shift_right_arithmetic3A_122 = arith.shrsi %get3A_120, %shift_right_arithmetic3A_121 : vector<16xi32>
      %mul3A_123 = arith.constant 10000 : i32
      %mul3A_124 = arith.muli %arg0, %mul3A_123 : i32
      %add3A_125 = vector.broadcast %mul3A_124 : i32 to vector<16xi32>
      %add3A_126 = arith.addi %shift_right_arithmetic3A_122, %add3A_125 : vector<16xi32>
      %mul3A_127 = arith.constant 16 : i32
      %mul3A_128 = arith.muli %scan3A_117, %mul3A_127 : i32
      %swap3A = arith.index_cast %mul3A_128 : i32 to index
      %swap3A_129 = tpu.vector_load %arg9[%swap3A] {strides = array<i32>} : memref<10496xi32, #tpu.memory_space<vmem>>, vector<16xi32>,
      tpu.vector_store %arg9[%swap3A], %add3A_126 {strides = array<i32>} : memref<10496xi32, #tpu.memory_space<vmem>>, vector<16xi32>,
      %and3A_130 = arith.constant 16383 : i32
      %and3A_131 = vector.broadcast %and3A_130 : i32 to vector<16xi32>
      %and3A_132 = arith.andi %get3A_120, %and3A_131 : vector<16xi32>
      %sub3A_133 = arith.constant 5120 : i32
      %sub3A_134 = vector.broadcast %sub3A_133 : i32 to vector<16xi32>
      %sub3A_135 = arith.subi %and3A_132, %sub3A_134 : vector<16xi32>
      %ge3A = arith.constant 0 : i32
      %ge3A_136 = vector.broadcast %ge3A : i32 to vector<16xi32>
      %ge3A_137 = arith.cmpi sge, %sub3A_135, %ge3A_136 : vector<16xi32>
      %lt3A = arith.constant 5120 : i32
      %lt3A_138 = vector.broadcast %lt3A : i32 to vector<16xi32>
      %lt3A_139 = arith.cmpi slt, %sub3A_135, %lt3A_138 : vector<16xi32>
      %and3A_140 = arith.andi %ge3A_137, %lt3A_139 : vector<16xi1>
      %jit3A_141 = arith.constant 5120 : i32
      %broadcast_in_dim3A_142 = vector.broadcast %jit3A_141 : i32 to vector<16xi32>
      %select_n3A_143 = arith.select %and3A_140, %sub3A_135, %broadcast_in_dim3A_142 : vector<16xi1>, vector<16xi32>
      %jit3A_144 = arith.constant 8 : i32
      %div3A_145 = arith.divsi %scan3A_117, %jit3A_144 : i32
      %sign3A_146 = arith.constant 0 : i32
      %sign3A_147 = arith.cmpi sgt, %scan3A_117, %sign3A_146 : i32
      %sign3A_148 = arith.extui %sign3A_147 : i1 to i32
      %sign3A_149 = arith.constant 0 : i32
      %sign3A_150 = arith.cmpi slt, %scan3A_117, %sign3A_149 : i32
      %sign3A_151 = arith.extui %sign3A_150 : i1 to i32
      %sign3A_152 = arith.subi %sign3A_148, %sign3A_151 : i32
      %sign3A_153 = arith.constant 0 : i32
      %sign3A_154 = arith.cmpi sgt, %jit3A_144, %sign3A_153 : i32
      %sign3A_155 = arith.extui %sign3A_154 : i1 to i32
      %sign3A_156 = arith.constant 0 : i32
      %sign3A_157 = arith.cmpi slt, %jit3A_144, %sign3A_156 : i32
      %sign3A_158 = arith.extui %sign3A_157 : i1 to i32
      %sign3A_159 = arith.subi %sign3A_155, %sign3A_158 : i32
      %ne3A_160 = arith.cmpi ne, %sign3A_152, %sign3A_159 : i32
      %rem3A_161 = arith.remsi %scan3A_117, %jit3A_144 : i32
      %ne3A_162 = arith.constant 0 : i32
      %ne3A_163 = arith.cmpi ne, %rem3A_161, %ne3A_162 : i32
      %and3A_164 = arith.andi %ne3A_160, %ne3A_163 : i1
      %sub3A_165 = arith.constant 1 : i32
      %sub3A_166 = arith.subi %div3A_145, %sub3A_165 : i32
      %select_n3A_167 = arith.select %and3A_164, %sub3A_166, %div3A_145 : i32
      %jit3A_168 = arith.constant 8 : i32
      %eq3A = arith.constant 0 : i32
      %eq3A_169 = arith.cmpi eq, %jit3A_168, %eq3A : i32
      %jit3A_170 = arith.constant 1 : i32
      %select_n3A_171 = arith.select %eq3A_169, %jit3A_170, %jit3A_168 : i32
      %rem3A_172 = arith.remsi %scan3A_117, %select_n3A_171 : i32
      %ne3A_173 = arith.constant 0 : i32
      %ne3A_174 = arith.cmpi ne, %rem3A_172, %ne3A_173 : i32
      %lt3A_175 = arith.constant 0 : i32
      %lt3A_176 = arith.cmpi slt, %rem3A_172, %lt3A_175 : i32
      %lt3A_177 = arith.constant 0 : i32
      %lt3A_178 = arith.cmpi slt, %select_n3A_171, %lt3A_177 : i32
      %ne3A_179 = arith.xori %lt3A_176, %lt3A_178 : i1
      %and3A_180 = arith.andi %ne3A_179, %ne3A_174 : i1
      %add3A_181 = arith.addi %rem3A_172, %select_n3A_171 : i32
      %select_n3A_182 = arith.select %and3A_180, %add3A_181, %rem3A_172 : i32
      %mul3A_183 = arith.constant 16 : i32
      %mul3A_184 = arith.muli %select_n3A_182, %mul3A_183 : i32
      %swap3A_185 = arith.index_cast %select_n3A_167 : i32 to index
      %swap3A_186 = arith.index_cast %mul3A_184 : i32 to index
      %swap3A_187 = tpu.vector_load %arg10[%swap3A_185, %swap3A_186] {strides = array<i32>} : memref<82x128xi32, #tpu.memory_space<vmem>>, vector<16xi32>,
      tpu.vector_store %arg10[%swap3A_185, %swap3A_186], %select_n3A_143 {strides = array<i32>} : memref<82x128xi32, #tpu.memory_space<vmem>>, vector<16xi32>,
    }
    %scan3A_93 = arith.constant 656 : i32
    %barrier3A_94 = arith.constant 0 : index
    tpu.barrier barrier_id(%barrier3A_94)
    %gt3A_95 = arith.constant 0 : i32
    %gt3A_96 = arith.cmpi sgt, %select_n3A_85, %gt3A_95 : i32
    %convert_element_type3A_97 = arith.extui %gt3A_96 : i1 to i32
    %cond3A_98 = arith.constant 0 : i32
    %cond3A_99 = arith.cmpi ne, %convert_element_type3A_97, %cond3A_98 : i32
    scf.if %cond3A_99 {
      %dma_start3A = arith.constant 0 : i32
      %dma_start3A_117 = tpu.memref_slice %arg9[%dma_start3A] : memref<10496xi32, #tpu.memory_space<vmem>> -> memref<128xi32, #tpu.memory_space<vmem>>
      %dma_start3A_118 = arith.constant 0 : i32
      %dma_start3A_119 = arith.constant 0 : i32
      %dma_start3A_120 = tpu.memref_slice %arg2[%dma_start3A_118, %dma_start3A_119] : memref<20000x128xf32, #tpu.memory_space<hbm>> -> memref<20000x128xf32, #tpu.memory_space<hbm>>
      tpu.enqueue_indirect_dma source(%dma_start3A_120 : memref<20000x128xf32, #tpu.memory_space<hbm>>) target(%arg11 : memref<128x128xf32, #tpu.memory_space<vmem>>) offsets(%dma_start3A_117 : memref<128xi32, #tpu.memory_space<vmem>>) semaphore(%arg14 : memref<!tpu.dma_semaphore, #tpu.memory_space<semaphore_mem>>)
    } else {
    }
    %gt3A_100 = arith.constant 1 : i32
    %gt3A_101 = arith.cmpi sgt, %select_n3A_85, %gt3A_100 : i32
    %convert_element_type3A_102 = arith.extui %gt3A_101 : i1 to i32
    %cond3A_103 = arith.constant 0 : i32
    %cond3A_104 = arith.cmpi ne, %convert_element_type3A_102, %cond3A_103 : i32
    scf.if %cond3A_104 {
      %dma_start3A = arith.constant 128 : i32
      %dma_start3A_117 = tpu.memref_slice %arg9[%dma_start3A] : memref<10496xi32, #tpu.memory_space<vmem>> -> memref<128xi32, #tpu.memory_space<vmem>>
      %dma_start3A_118 = arith.constant 0 : i32
      %dma_start3A_119 = arith.constant 0 : i32
      %dma_start3A_120 = tpu.memref_slice %arg2[%dma_start3A_118, %dma_start3A_119] : memref<20000x128xf32, #tpu.memory_space<hbm>> -> memref<20000x128xf32, #tpu.memory_space<hbm>>
      tpu.enqueue_indirect_dma source(%dma_start3A_120 : memref<20000x128xf32, #tpu.memory_space<hbm>>) target(%arg12 : memref<128x128xf32, #tpu.memory_space<vmem>>) offsets(%dma_start3A_117 : memref<128xi32, #tpu.memory_space<vmem>>) semaphore(%arg15 : memref<!tpu.dma_semaphore, #tpu.memory_space<semaphore_mem>>)
    } else {
    }
    %scan3A_105 = arith.constant 0 : i32
    %scan3A_106 = arith.constant 41 : i32
    %scan3A_107 = arith.addi %scan3A_105, %scan3A_106 : i32
    %scan3A_108 = arith.constant 1 : i32
    scf.for %scan3A_117 = %scan3A_105 to %scan3A_107 step %scan3A_108  : i32 {
      %mul3A_118 = arith.constant 2 : i32
      %mul3A_119 = arith.muli %mul3A_118, %scan3A_117 : i32
      %add3A_120 = arith.constant 0 : i32
      %add3A_121 = arith.addi %mul3A_119, %add3A_120 : i32
      %lt3A = arith.cmpi slt, %add3A_121, %select_n3A_85 : i32
      %convert_element_type3A_122 = arith.extui %lt3A : i1 to i32
      %cond3A_123 = arith.constant 0 : i32
      %cond3A_124 = arith.cmpi ne, %convert_element_type3A_122, %cond3A_123 : i32
      scf.if %cond3A_124 {
        %mul3A_133 = arith.constant 128 : i32
        %mul3A_134 = arith.muli %add3A_121, %mul3A_133 : i32
        %dma_wait3A = tpu.memref_slice %arg9[%mul3A_134] : memref<10496xi32, #tpu.memory_space<vmem>> -> memref<128xi32, #tpu.memory_space<vmem>>
        %dma_wait3A_135 = arith.constant 0 : i32
        %dma_wait3A_136 = arith.constant 0 : i32
        %dma_wait3A_137 = tpu.memref_slice %arg2[%dma_wait3A_135, %dma_wait3A_136] : memref<20000x128xf32, #tpu.memory_space<hbm>> -> memref<20000x128xf32, #tpu.memory_space<hbm>>
        tpu.wait_indirect_dma semaphore(%arg14 : memref<!tpu.dma_semaphore, #tpu.memory_space<semaphore_mem>>) src(%dma_wait3A_137 : memref<20000x128xf32, #tpu.memory_space<hbm>>) dst(%arg11 : memref<128x128xf32, #tpu.memory_space<vmem>>)
        "tpu.region"() ({
          %run_scoped3A = tpu.sem_alloc : memref<!tpu.dma_semaphore, #tpu.memory_space<semaphore_mem>>
          %dma_start3A = arith.constant 0 : i32
          %dma_start3A_144 = tpu.memref_slice %arg10[%add3A_121, %dma_start3A] : memref<82x128xi32, #tpu.memory_space<vmem>> -> memref<1x128xi32, #tpu.memory_space<vmem>>
          %dma_start3A_145 = tpu.memref_squeeze %dma_start3A_144 : memref<1x128xi32, #tpu.memory_space<vmem>> -> memref<128xi32, #tpu.memory_space<vmem>>
          %dma_start3A_146 = arith.constant 0 : i32
          %dma_start3A_147 = arith.constant 0 : i32
          %dma_start3A_148 = tpu.memref_slice %arg13[%dma_start3A_146, %dma_start3A_147] : memref<5248x128xf32, #tpu.memory_space<vmem_shared>> -> memref<5248x128xf32, #tpu.memory_space<vmem_shared>>
          tpu.enqueue_indirect_dma source(%arg11 : memref<128x128xf32, #tpu.memory_space<vmem>>) target(%dma_start3A_148 : memref<5248x128xf32, #tpu.memory_space<vmem_shared>>) offsets(%dma_start3A_145 : memref<128xi32, #tpu.memory_space<vmem>>) semaphore(%run_scoped3A : memref<!tpu.dma_semaphore, #tpu.memory_space<semaphore_mem>>) {add = true}
          %dma_wait3A_149 = arith.constant 0 : i32
          %dma_wait3A_150 = tpu.memref_slice %arg10[%add3A_121, %dma_wait3A_149] : memref<82x128xi32, #tpu.memory_space<vmem>> -> memref<1x128xi32, #tpu.memory_space<vmem>>
          %dma_wait3A_151 = tpu.memref_squeeze %dma_wait3A_150 : memref<1x128xi32, #tpu.memory_space<vmem>> -> memref<128xi32, #tpu.memory_space<vmem>>
          %dma_wait3A_152 = arith.constant 0 : i32
          %dma_wait3A_153 = arith.constant 0 : i32
          %dma_wait3A_154 = tpu.memref_slice %arg13[%dma_wait3A_152, %dma_wait3A_153] : memref<5248x128xf32, #tpu.memory_space<vmem_shared>> -> memref<5248x128xf32, #tpu.memory_space<vmem_shared>>
          tpu.wait_indirect_dma semaphore(%run_scoped3A : memref<!tpu.dma_semaphore, #tpu.memory_space<semaphore_mem>>) src(%arg11 : memref<128x128xf32, #tpu.memory_space<vmem>>) dst(%dma_wait3A_154 : memref<5248x128xf32, #tpu.memory_space<vmem_shared>>)
          tpu.yield
        }) : () -> ()
        %add3A_138 = arith.constant 2 : i32
        %add3A_139 = arith.addi %add3A_121, %add3A_138 : i32
        %lt3A_140 = arith.cmpi slt, %add3A_139, %select_n3A_85 : i32
        %convert_element_type3A_141 = arith.extui %lt3A_140 : i1 to i32
        %cond3A_142 = arith.constant 0 : i32
        %cond3A_143 = arith.cmpi ne, %convert_element_type3A_141, %cond3A_142 : i32
        scf.if %cond3A_143 {
          %mul3A_144 = arith.constant 128 : i32
          %mul3A_145 = arith.muli %add3A_139, %mul3A_144 : i32
          %dma_start3A = tpu.memref_slice %arg9[%mul3A_145] : memref<10496xi32, #tpu.memory_space<vmem>> -> memref<128xi32, #tpu.memory_space<vmem>>
          %dma_start3A_146 = arith.constant 0 : i32
          %dma_start3A_147 = arith.constant 0 : i32
          %dma_start3A_148 = tpu.memref_slice %arg2[%dma_start3A_146, %dma_start3A_147] : memref<20000x128xf32, #tpu.memory_space<hbm>> -> memref<20000x128xf32, #tpu.memory_space<hbm>>
          tpu.enqueue_indirect_dma source(%dma_start3A_148 : memref<20000x128xf32, #tpu.memory_space<hbm>>) target(%arg11 : memref<128x128xf32, #tpu.memory_space<vmem>>) offsets(%dma_start3A : memref<128xi32, #tpu.memory_space<vmem>>) semaphore(%arg14 : memref<!tpu.dma_semaphore, #tpu.memory_space<semaphore_mem>>)
        } else {
        }
      } else {
      }
      %mul3A_125 = arith.constant 2 : i32
      %mul3A_126 = arith.muli %mul3A_125, %scan3A_117 : i32
      %add3A_127 = arith.constant 1 : i32
      %add3A_128 = arith.addi %mul3A_126, %add3A_127 : i32
      %lt3A_129 = arith.cmpi slt, %add3A_128, %select_n3A_85 : i32
      %convert_element_type3A_130 = arith.extui %lt3A_129 : i1 to i32
      %cond3A_131 = arith.constant 0 : i32
      %cond3A_132 = arith.cmpi ne, %convert_element_type3A_130, %cond3A_131 : i32
      scf.if %cond3A_132 {
        %mul3A_133 = arith.constant 128 : i32
        %mul3A_134 = arith.muli %add3A_128, %mul3A_133 : i32
        %dma_wait3A = tpu.memref_slice %arg9[%mul3A_134] : memref<10496xi32, #tpu.memory_space<vmem>> -> memref<128xi32, #tpu.memory_space<vmem>>
        %dma_wait3A_135 = arith.constant 0 : i32
        %dma_wait3A_136 = arith.constant 0 : i32
        %dma_wait3A_137 = tpu.memref_slice %arg2[%dma_wait3A_135, %dma_wait3A_136] : memref<20000x128xf32, #tpu.memory_space<hbm>> -> memref<20000x128xf32, #tpu.memory_space<hbm>>
        tpu.wait_indirect_dma semaphore(%arg15 : memref<!tpu.dma_semaphore, #tpu.memory_space<semaphore_mem>>) src(%dma_wait3A_137 : memref<20000x128xf32, #tpu.memory_space<hbm>>) dst(%arg12 : memref<128x128xf32, #tpu.memory_space<vmem>>)
        "tpu.region"() ({
          %run_scoped3A = tpu.sem_alloc : memref<!tpu.dma_semaphore, #tpu.memory_space<semaphore_mem>>
          %dma_start3A = arith.constant 0 : i32
          %dma_start3A_144 = tpu.memref_slice %arg10[%add3A_128, %dma_start3A] : memref<82x128xi32, #tpu.memory_space<vmem>> -> memref<1x128xi32, #tpu.memory_space<vmem>>
          %dma_start3A_145 = tpu.memref_squeeze %dma_start3A_144 : memref<1x128xi32, #tpu.memory_space<vmem>> -> memref<128xi32, #tpu.memory_space<vmem>>
          %dma_start3A_146 = arith.constant 0 : i32
          %dma_start3A_147 = arith.constant 0 : i32
          %dma_start3A_148 = tpu.memref_slice %arg13[%dma_start3A_146, %dma_start3A_147] : memref<5248x128xf32, #tpu.memory_space<vmem_shared>> -> memref<5248x128xf32, #tpu.memory_space<vmem_shared>>
          tpu.enqueue_indirect_dma source(%arg12 : memref<128x128xf32, #tpu.memory_space<vmem>>) target(%dma_start3A_148 : memref<5248x128xf32, #tpu.memory_space<vmem_shared>>) offsets(%dma_start3A_145 : memref<128xi32, #tpu.memory_space<vmem>>) semaphore(%run_scoped3A : memref<!tpu.dma_semaphore, #tpu.memory_space<semaphore_mem>>) {add = true}
          %dma_wait3A_149 = arith.constant 0 : i32
          %dma_wait3A_150 = tpu.memref_slice %arg10[%add3A_128, %dma_wait3A_149] : memref<82x128xi32, #tpu.memory_space<vmem>> -> memref<1x128xi32, #tpu.memory_space<vmem>>
          %dma_wait3A_151 = tpu.memref_squeeze %dma_wait3A_150 : memref<1x128xi32, #tpu.memory_space<vmem>> -> memref<128xi32, #tpu.memory_space<vmem>>
          %dma_wait3A_152 = arith.constant 0 : i32
          %dma_wait3A_153 = arith.constant 0 : i32
          %dma_wait3A_154 = tpu.memref_slice %arg13[%dma_wait3A_152, %dma_wait3A_153] : memref<5248x128xf32, #tpu.memory_space<vmem_shared>> -> memref<5248x128xf32, #tpu.memory_space<vmem_shared>>
          tpu.wait_indirect_dma semaphore(%run_scoped3A : memref<!tpu.dma_semaphore, #tpu.memory_space<semaphore_mem>>) src(%arg12 : memref<128x128xf32, #tpu.memory_space<vmem>>) dst(%dma_wait3A_154 : memref<5248x128xf32, #tpu.memory_space<vmem_shared>>)
          tpu.yield
        }) : () -> ()
        %add3A_138 = arith.constant 2 : i32
        %add3A_139 = arith.addi %add3A_128, %add3A_138 : i32
        %lt3A_140 = arith.cmpi slt, %add3A_139, %select_n3A_85 : i32
        %convert_element_type3A_141 = arith.extui %lt3A_140 : i1 to i32
        %cond3A_142 = arith.constant 0 : i32
        %cond3A_143 = arith.cmpi ne, %convert_element_type3A_141, %cond3A_142 : i32
        scf.if %cond3A_143 {
          %mul3A_144 = arith.constant 128 : i32
          %mul3A_145 = arith.muli %add3A_139, %mul3A_144 : i32
          %dma_start3A = tpu.memref_slice %arg9[%mul3A_145] : memref<10496xi32, #tpu.memory_space<vmem>> -> memref<128xi32, #tpu.memory_space<vmem>>
          %dma_start3A_146 = arith.constant 0 : i32
          %dma_start3A_147 = arith.constant 0 : i32
          %dma_start3A_148 = tpu.memref_slice %arg2[%dma_start3A_146, %dma_start3A_147] : memref<20000x128xf32, #tpu.memory_space<hbm>> -> memref<20000x128xf32, #tpu.memory_space<hbm>>
          tpu.enqueue_indirect_dma source(%dma_start3A_148 : memref<20000x128xf32, #tpu.memory_space<hbm>>) target(%arg12 : memref<128x128xf32, #tpu.memory_space<vmem>>) offsets(%dma_start3A : memref<128xi32, #tpu.memory_space<vmem>>) semaphore(%arg15 : memref<!tpu.dma_semaphore, #tpu.memory_space<semaphore_mem>>)
        } else {
        }
      } else {
      }
    }
    %scan3A_109 = arith.constant 41 : i32
    %barrier3A_110 = arith.constant 0 : index
    tpu.barrier barrier_id(%barrier3A_110)
    %mul3A_111 = arith.constant 320 : i32
    %mul3A_112 = arith.muli %arg1, %mul3A_111 : i32
    %mul3A_113 = arith.constant 320 : i32
    %mul3A_114 = arith.muli %arg1, %mul3A_113 : i32
    %add3A_115 = arith.constant 5120 : i32
    %add3A_116 = arith.addi %add3A_115, %mul3A_114 : i32
    "tpu.region"() ({
      %run_scoped3A = tpu.sem_alloc : memref<!tpu.dma_semaphore, #tpu.memory_space<semaphore_mem>>
      %dma_start3A = arith.constant 0 : i32
      %dma_start3A_117 = tpu.memref_slice %arg5[%arg0, %add3A_116, %dma_start3A] : memref<2x10240x128xf32, #tpu.memory_space<hbm>> -> memref<1x320x128xf32, #tpu.memory_space<hbm>>
      %dma_start3A_118 = tpu.memref_squeeze %dma_start3A_117 : memref<1x320x128xf32, #tpu.memory_space<hbm>> -> memref<320x128xf32, #tpu.memory_space<hbm>>
      %dma_start3A_119 = arith.constant 0 : i32
      %dma_start3A_120 = tpu.memref_slice %arg13[%mul3A_112, %dma_start3A_119] : memref<5248x128xf32, #tpu.memory_space<vmem_shared>> -> memref<320x128xf32, #tpu.memory_space<vmem_shared>>
      tpu.enqueue_dma source(%dma_start3A_120 : memref<320x128xf32, #tpu.memory_space<vmem_shared>>) target(%dma_start3A_118 : memref<320x128xf32, #tpu.memory_space<hbm>>) target_semaphore(%run_scoped3A : memref<!tpu.dma_semaphore, #tpu.memory_space<semaphore_mem>>)
      %dma_wait3A = arith.constant 0 : i32
      %dma_wait3A_121 = tpu.memref_slice %arg5[%arg0, %add3A_116, %dma_wait3A] : memref<2x10240x128xf32, #tpu.memory_space<hbm>> -> memref<1x320x128xf32, #tpu.memory_space<hbm>>
      %dma_wait3A_122 = tpu.memref_squeeze %dma_wait3A_121 : memref<1x320x128xf32, #tpu.memory_space<hbm>> -> memref<320x128xf32, #tpu.memory_space<hbm>>
      %dma_wait3A_123 = arith.constant 0 : i32
      %dma_wait3A_124 = tpu.memref_slice %arg13[%mul3A_112, %dma_wait3A_123] : memref<5248x128xf32, #tpu.memory_space<vmem_shared>> -> memref<320x128xf32, #tpu.memory_space<vmem_shared>>
      tpu.wait_dma2 semaphore(%run_scoped3A : memref<!tpu.dma_semaphore, #tpu.memory_space<semaphore_mem>>) src(%dma_wait3A_124 : memref<320x128xf32, #tpu.memory_space<vmem_shared>>) dst(%dma_wait3A_122 : memref<320x128xf32, #tpu.memory_space<hbm>>)
      tpu.yield
    }) : () -> ()
    return
  }
}

module attributes {stable_mosaic.version = 14 : i64} {
  func.func @_mm_body(%arg0: i32, %arg1: memref<2x1000x128xf32, #tpu.memory_space<vmem>>, %arg2: memref<256x256xf32, #tpu.memory_space<vmem>>, %arg3: memref<1x256xf32, #tpu.memory_space<vmem>>, %arg4: memref<1000x256xf32, #tpu.memory_space<vmem>>) attributes {dimension_semantics = [#tpu.dimension_semantics<arbitrary>], iteration_bounds = array<i64: 10>, scalar_prefetch = 0 : i64, scratch_operands = 0 : i64, tpu.core_type = #tpu.core_type<tc>, window_params = [{transform_indices = @transform_0, window_bounds = array<i64: 2, 1000, 128>}, {pipeline_mode = #tpu.pipeline_mode<synchronous>, transform_indices = @transform_1, window_bounds = array<i64: 256, 256>}, {pipeline_mode = #tpu.pipeline_mode<synchronous>, transform_indices = @transform_2, window_bounds = array<i64: 1, 256>}, {transform_indices = @transform_3, window_bounds = array<i64: 1000, 256>}]} {
    %get3A = arith.constant 0 : index
    %get3A_0 = arith.constant 0 : index
    %get3A_1 = vector.load %arg3[%get3A, %get3A_0] : memref<1x256xf32, #tpu.memory_space<vmem>>, vector<1x256xf32>
    %get3A_2 = arith.constant 0 : index
    %get3A_3 = arith.constant 0 : index
    %get3A_4 = arith.constant 0 : index
    %get3A_5 = vector.load %arg1[%get3A_2, %get3A_3, %get3A_4] : memref<2x1000x128xf32, #tpu.memory_space<vmem>>, vector<1x1000x128xf32>
    %get3A_6 = vector.shape_cast %get3A_5 : vector<1x1000x128xf32> to vector<1000x128xf32>
    %get3A_7 = arith.constant 0 : index
    %get3A_8 = arith.constant 0 : index
    %get3A_9 = vector.load %arg2[%get3A_7, %get3A_8] : memref<256x256xf32, #tpu.memory_space<vmem>>, vector<128x256xf32>
    %dot_general3A = arith.constant dense<0.000000e+00> : vector<1000x256xf32>
    %dot_general3A_10 = tpu.matmul %get3A_6, %get3A_9, %dot_general3A {dimension_numbers = #tpu.dot_dimension_numbers<[1], [0], [0], [1], [0, 0, 1, 1], [], []>, transpose_lhs_hint = false} : vector<1000x128xf32>, vector<128x256xf32>, vector<1000x256xf32> -> vector<1000x256xf32>
    %add3A = vector.broadcast %get3A_1 : vector<1x256xf32> to vector<1000x256xf32>
    %add3A_11 = arith.addf %add3A, %dot_general3A_10 : vector<1000x256xf32>
    %get3A_12 = arith.constant 1 : index
    %get3A_13 = arith.constant 0 : index
    %get3A_14 = arith.constant 0 : index
    %get3A_15 = vector.load %arg1[%get3A_12, %get3A_13, %get3A_14] : memref<2x1000x128xf32, #tpu.memory_space<vmem>>, vector<1x1000x128xf32>
    %get3A_16 = vector.shape_cast %get3A_15 : vector<1x1000x128xf32> to vector<1000x128xf32>
    %get3A_17 = arith.constant 128 : index
    %get3A_18 = arith.constant 0 : index
    %get3A_19 = vector.load %arg2[%get3A_17, %get3A_18] : memref<256x256xf32, #tpu.memory_space<vmem>>, vector<128x256xf32>
    %dot_general3A_20 = arith.constant dense<0.000000e+00> : vector<1000x256xf32>
    %dot_general3A_21 = tpu.matmul %get3A_16, %get3A_19, %dot_general3A_20 {dimension_numbers = #tpu.dot_dimension_numbers<[1], [0], [0], [1], [0, 0, 1, 1], [], []>, transpose_lhs_hint = false} : vector<1000x128xf32>, vector<128x256xf32>, vector<1000x256xf32> -> vector<1000x256xf32>
    %add3A_22 = arith.addf %add3A_11, %dot_general3A_21 : vector<1000x256xf32>
    %max3A = arith.constant 0.000000e+00 : f32
    %max3A_23 = vector.broadcast %max3A : f32 to vector<1000x256xf32>
    %max3A_24 = arith.maximumf %add3A_22, %max3A_23 : vector<1000x256xf32>
    %swap3A = arith.constant 0 : index
    %swap3A_25 = arith.constant 0 : index
    %swap3A_26 = vector.load %arg4[%swap3A, %swap3A_25] : memref<1000x256xf32, #tpu.memory_space<vmem>>, vector<1000x256xf32>
    tpu.vector_store %arg4[%swap3A, %swap3A_25], %max3A_24 {strides = array<i32>} : memref<1000x256xf32, #tpu.memory_space<vmem>>, vector<1000x256xf32>,
    return
  }
  func.func @transform_0(%arg0: i32) -> (i32, i32, i32) {
    %c0_i32 = arith.constant 0 : i32
    %c0_i32_0 = arith.constant 0 : i32
    %c0_i32_1 = arith.constant 0 : i32
    return %c0_i32, %arg0, %c0_i32_0 : i32, i32, i32
  }
  func.func @transform_1(%arg0: i32) -> (i32, i32) {
    %c0_i32 = arith.constant 0 : i32
    %c0_i32_0 = arith.constant 0 : i32
    %c0_i32_1 = arith.constant 0 : i32
    return %c0_i32, %c0_i32_0 : i32, i32
  }
  func.func @transform_2(%arg0: i32) -> (i32, i32) {
    %c0_i32 = arith.constant 0 : i32
    %c0_i32_0 = arith.constant 0 : i32
    %c0_i32_1 = arith.constant 0 : i32
    return %c0_i32, %c0_i32_0 : i32, i32
  }
  func.func @transform_3(%arg0: i32) -> (i32, i32) {
    %c0_i32 = arith.constant 0 : i32
    %c0_i32_0 = arith.constant 0 : i32
    return %arg0, %c0_i32 : i32, i32
  }
}

</mosaic_0001>

<sc_bundles>
// kernel: kernel.4.cloned.1.call-start
scs
__scs_entry_jumppad:
0x0: {  	(pc) =	sbr.rel $0x88, $3  }
0x1: {  	(tag) =	ssettag $0x0;
	lr =	simm.s32 $0x1  }
0x2: {  	[smem:$0x3F9D] =	sst lr;
	_ =	strace $0xD0000000  }
0x3: {  	_ = 	snop  }
0x4: {  	_ = 	snop  }
0x5: {  	_ = 	snop  }
0x6: {  	_ = 	snop  }
0x7: {  	_ = 	snop  }
__scs_overlays_trampoline_lowered:
0x8: {  	[smem:$0x3FAC] =	sst s0  }
0x9: {  	[smem:$0x3FAD] =	sst s1  }
0xa: {  	[smem:$0x3FAE] =	sst s2  }
0xb: {  	[smem:$0x3FAF] =	sst s3  }
0xc: {  	[smem:$0x3FB0] =	sst s4  }
0xd: {  	[smem:$0x3FB1] =	sst s5  }
0xe: {  	[smem:$0x3FB2] =	sst s6  }
0xf: {  	[smem:$0x3FB3] =	sst s7  }
0x10: {  	[smem:$0x3FB4] =	sst s8  }
0x11: {  	[smem:$0x3FB5] =	sst s9;
	s0 =	simm.s32 @!p0 $0x0  }
0x12: {  	s1 =	sld [smem:$0x3F9B];
	s0 =	simm.s32 @p0 $0x1  }
0x13: {  	[smem:$0x3FB6] =	sst s0;
	s0 =	simm.s32 @!p1 $0x0  }
0x14: {  	s2 =	sld [smem:$0x3F9A];
	s0 =	simm.s32 @p1 $0x1  }
0x15: {  	[smem:$0x3FB7] =	sst s0;
	s0 =	simm.s32 @!p2 $0x0  }
0x16: {  	s3 =	sld [smem:$0x3FDB];
	s0 =	simm.s32 @p2 $0x1  }
0x17: {  	s4 =	simm.s32 $0x1BF5;
	[smem:$0x3FB9] =	sst s0  }
0x18: {  	s0 =	sld [smem:$0x3F9C];
	_ =	swait.ge [sflag:s4], $0x0  }
0x19: {  	s7 =	sld [smem:$0x3F9D]  }
0x1a: {  	s8 =	sadd.s32 $0xFFFFE003, lr  }
0x1b: {  	s9 =	sadd.s32 $0xFFFFFEF7, lr;
	s5 =	simm.s32 $0xFFFFFFFF;
	p2 =	slt.u32 s8, $0xFFFFF086  }
0x1c: {  	p1 =	slt.u32 s9, $0xF7A;
	s5 =	simm.s32 @!p2 $0x0  }
0x1d: {  	s5 =	simm.s32 @p1 $0x1;
	p0 =	seq.s32 s7, s2  }
0x1e: {  	s7 =	smul.u32 @!p0 $0xF7A, s2;
	p2 =	seq.s32 @!p0 s5, $0x0  }
0x1f: {  	s9 =	smul.u32 $0xF7A, s1;
	s8 =	simm.s32 @!p0 $0x1BF5;
	p2 =	por !p2, p0  }
0x20: {  	[sflag:s8] =	ssyncset.s32 @!p0 $0xFFFFF086;
	s6 =	sadd.s32 @!p0 s3, s7;
	s7 =	simm.s32 @!p0 $0x108  }
0x21: {  	s3 =	sadd.s32 s3, s9;
	s6 =	sadd.s32 @!p0 $0x88, s6;
	s7 =	simm.s32 @p2 $0x1082  }
0x22: {  	[simem:s7], [sflag:s8] =	dma.local @!p0 [hbm:s6], $0xF7A  }
0x23: {  	s9 =	sor.u32 $0xD0000000, s2;
	s6 =	simm.s32 $0x108;
	_ =	swait.ge @!p0 [sflag:s8], $0x0  }
0x24: {  	s3 =	sadd.s32 $0x88, s3;
	s6 =	simm.s32 @!p1 $0x1082;
	[sflag:s4] =	ssyncset.s32 $0xFFFFF086  }
0x25: {  	[simem:s6], [sflag:s4] =	dma.local [hbm:s3], $0xF7A  }
0x26: {  	[smem:$0x3F9D] =	sst s1;
	(tag) =	ssettag s2;
	_ =	strace s9  }
0x27: {  	s1 =	sld [smem:$0x3FAD]  }
0x28: {  	s2 =	sld [smem:$0x3FAE]  }
0x29: {  	s4 =	sld [smem:$0x3FB0]  }
0x2a: {  	p0 =	seq.s32 s5, $0x0;
	s5 =	sld [smem:$0x3FB1]  }
0x2b: {  	s6 =	sld [smem:$0x3FB2]  }
0x2c: {  	s7 =	sld [smem:$0x3FB3]  }
0x2d: {  	s3 =	simm.s32 $0x108;
	s8 =	sld [smem:$0x3FB4]  }
0x2e: {  	s3 =	simm.s32 @!p0 $0x1082;
	s9 =	sld [smem:$0x3FB5]  }
0x2f: {  	lr =	sadd.s32 s0, s3;
	s0 =	sld [smem:$0x3FAC]  }
0x30: {  	s3 =	sld [smem:$0x3FAF]  }
0x31: {  	[smem:$0x3FB8] =	sst s10  }
0x32: {  	s10 =	sld [smem:$0x3FB6];
	_ =	sdelay $0x3  }
0x33: {  	p0 =	seq.s32 s10, $0x1;
	s10 =	sld [smem:$0x3FB8];
	_ =	sdelay $0x3  }
0x34: {  	[smem:$0x3FB8] =	sst s10  }
0x35: {  	s10 =	sld [smem:$0x3FB7];
	_ =	sdelay $0x3  }
0x36: {  	p1 =	seq.s32 s10, $0x1;
	s10 =	sld [smem:$0x3FB8];
	_ =	sdelay $0x3  }
0x37: {  	[smem:$0x3FB8] =	sst s10  }
0x38: {  	s10 =	sld [smem:$0x3FB9]  }
0x39: {  	_ = 	snop;
	(pc) =	sbr.ind lr, $3  }
0x3a: {  	_ = 	snop  }
0x3b: {  	_ = 	snop  }
0x3c: {  	p2 =	seq.s32 s10, $0x1;
	s10 =	sld [smem:$0x3FB8]  }
0x3d: {  	_ =	shalt  }
0x3e: {  	_ =	shalt  }
0x3f: {  	_ =	shalt  }
0x40: {  	_ =	shalt  }
0x41: {  	_ =	shalt  }
0x42: {  	_ =	shalt  }
0x43: {  	_ =	shalt  }
0x44: {  	_ =	shalt  }
0x45: {  	_ =	shalt  }
0x46: {  	_ =	shalt  }
0x47: {  	_ =	shalt  }
0x48: {  	_ =	shalt  }
0x49: {  	_ =	shalt  }
0x4a: {  	_ =	shalt  }
0x4b: {  	_ =	shalt  }
0x4c: {  	_ =	shalt  }
0x4d: {  	_ =	shalt  }
0x4e: {  	_ =	shalt  }
0x4f: {  	_ =	shalt  }
0x50: {  	_ =	shalt  }
0x51: {  	_ =	shalt  }
0x52: {  	_ =	shalt  }
0x53: {  	_ =	shalt  }
0x54: {  	_ =	shalt  }
0x55: {  	_ =	shalt  }
0x56: {  	_ =	shalt  }
0x57: {  	_ =	shalt  }
0x58: {  	_ =	shalt  }
0x59: {  	_ =	shalt  }
0x5a: {  	_ =	shalt  }
0x5b: {  	_ =	shalt  }
0x5c: {  	_ =	shalt  }
0x5d: {  	_ =	shalt  }
0x5e: {  	_ =	shalt  }
0x5f: {  	_ =	shalt  }
0x60: {  	_ =	shalt  }
0x61: {  	_ =	shalt  }
0x62: {  	_ =	shalt  }
0x63: {  	_ =	shalt  }
0x64: {  	_ =	shalt  }
0x65: {  	_ =	shalt  }
0x66: {  	_ =	shalt  }
0x67: {  	_ =	shalt  }
0x68: {  	_ =	shalt  }
0x69: {  	_ =	shalt  }
0x6a: {  	_ =	shalt  }
0x6b: {  	_ =	shalt  }
0x6c: {  	_ =	shalt  }
0x6d: {  	_ =	shalt  }
0x6e: {  	_ =	shalt  }
0x6f: {  	_ =	shalt  }
0x70: {  	_ =	shalt  }
0x71: {  	_ =	shalt  }
0x72: {  	_ =	shalt  }
0x73: {  	_ =	shalt  }
0x74: {  	_ =	shalt  }
0x75: {  	_ =	shalt  }
0x76: {  	_ =	shalt  }
0x77: {  	_ =	shalt  }
0x78: {  	_ =	shalt  }
0x79: {  	_ =	shalt  }
0x7a: {  	_ =	shalt  }
0x7b: {  	_ =	shalt  }
0x7c: {  	_ =	shalt  }
0x7d: {  	_ =	shalt  }
0x7e: {  	_ =	shalt  }
0x7f: {  	_ =	shalt  }
0x80: {  	_ =	shalt  }
0x81: {  	_ =	shalt  }
0x82: {  	_ =	shalt  }
0x83: {  	_ =	shalt  }
0x84: {  	_ =	shalt  }
0x85: {  	_ =	shalt  }
0x86: {  	_ =	shalt  }
0x87: {  	_ =	shalt  }
.Lfunc_end0:
.L_simem_size_0:
called_computation_lowered:
.L_overlay_start_0:
0x88: {  	s2 =	sld [smem:$0x3FD9]  }
0x89: {  	s3 =	sld [smem:$0x3FFE];
	_ =	sdelay $0x1  }
0x8a: {  	s1 =	srdreg.scid  }
0x8b: {  	s0 =	sand.u32 $0x1, s1  }
0x8c: {  	s17 =	sshll.u32 s0, $0xA;
	s2 =	sadd.s32 s3, s2  }
0x8d: {  	s2 =	sadd.s32 s2, s17  }
0x8e: {  	[smem:$0x3FC4] =	sst s2  }
0x8f: {  	_ = 	snop  }
0x90: {  	s2 =	sld [smem:$0x3FD0];
	(tm) =	ssettm $0x1  }
0x91: {  	s18 =	sld [smem:$0x3FFB];
	_ =	sdelay $0x3  }
0x92: {  	_ =	strace s18  }
0x93: {  	s3 =	sld [smem:$0x3FFC];
	_ =	sdelay $0x3  }
0x94: {  	_ =	strace s3  }
0x95: {  	s3 =	sld [smem:$0x3FFD];
	_ =	sdelay $0x3  }
0x96: {  	_ =	strace s3  }
0x97: {  	_ =	strace $0x8FFFFFFF  }
0x98: {  	s19 =	sld [smem:$0x3FDB];
	_ =	sdelay $0x1  }
0x99: {  	s4 =	simm.s32 $_scs_section_size  }
0x9a: {  	s5 =	simm.s32 $_size__tile_overlayer_lowered;
	s6 =	simm.s32 $_tile_overlayer_lowered  }
0x9b: {  	s22 =	simm.s32 $0x1BFF;
	s21 =	sshll.u32 s6, $0x1;
	s3 =	sadd.s32 s4, s19  }
0x9c: {  	s7 =	simm.s32 $0x0;
	s20 =	sshll.u32 s5, $0x1;
	s5 =	sadd.s32 s21, s3  }
0x9d: {  	[timem:s7], [sflag:s22] =	dma.local [hbm:s5], s20  }
0x9e: {  	_ =	swait.ge [sflag:s22], s20  }
0x9f: {  	s4 =	ssub.s32 $0x0, s20;
	[sflag:s22] =	ssyncset.done $0x0  }
0xa0: {  	[sflag:s22] =	ssyncadd.s32 s4;
	_ =	sdelay $0x1  }
0xa1: {  	s23 =	simm.s32 $0x1B8B  }
0xa2: {  	_ =	swait.ge [sflag:s23], $0x1  }
0xa3: {  	[sflag:s23] =	ssyncset.done $0x0  }
0xa4: {  	s25 =	simm.s32 $0x1B8E;
	s24 =	sld [smem:$0x3FFE];
	[sflag:s23] =	ssyncadd.s32 $0xFFFFFFFF  }
0xa5: {  	s26 =	simm.s32 $execute0_lowered;
	[smem:$0x3FD2] =	sst s25  }
0xa6: {  	s5 =	sshll.u32 s26, $0x1;
	_ =	strace $0x80000046;
	[dreg:$0x1] =	wrdreg $0xFFFFFFFF  }
0xa7: {  	s28 =	simm.s32 $_size_execute0_lowered;
	s3 =	sadd.s32 s3, s5;
	[dreg:$0x0] =	wrdreg $0x0  }
0xa8: {  	s5 =	sshll.u32 s28, $0x1;
	[dreg:$0x2] =	wrdreg s3  }
0xa9: {  	[dreg:$0x3] =	wrdreg s5  }
0xaa: {  	[dreg:$0x4] =	wrdreg $0xC0  }
0xab: {  	_ =	task [dreg:s7], $0x5FFFF  }
0xac: {  	[dreg:$0x1] =	wrdreg $0xFFFFFFFF  }
0xad: {  	[dreg:$0x0] =	wrdreg $0x60  }
0xae: {  	[dreg:$0x2] =	wrdreg s2  }
0xaf: {  	[dreg:$0x3] =	wrdreg s24  }
0xb0: {  	[dreg:$0x4] =	wrdreg $0x14F000  }
0xb1: {  	[dreg:$0x5] =	wrdreg $0x9  }
0xb2: {  	_ =	task.clear_ibuf [dreg:s7], $0x6FFFF;
	_ =	strace $0x90000046  }
0xb3: {  	s29 =	simm.s32 $0x9;
	_ =	strace $0x80000048  }
0xb4: {  	_ =	swait.ge [sflag:s29], $0x1  }
0xb5: {  	[sflag:s29] =	ssyncadd.s32 $0xFFFFFFFF  }
0xb6: {  	_ =	strace $0x90000048  }
0xb7: {  	_ =	sfence  }
0xb8: {  	s30 =	sld [smem:$0x0];
	_ =	sdelay $0x2  }
0xb9: {  	s31 =	sshll.u32 s1, $0xD;
	s1 =	sshrl.u32 s1, $0x2  }
0xba: {  	s3 =	sand.u32 $0x4000, s31;
	s1 =	sadd.s32 s1, s30  }
0xbb: {  	s0 =	sor.u32 s3, s0;
	s1 =	sshll.u32 s1, $0x11  }
0xbc: {  	s0 =	sor.u32 s1, s0  }
0xbd: {  	s0 =	sadd.s32 $0x8F2B, s0  }
0xbe: {  	[sflag:s0] =	ssyncadd.remote.s32 $0x1  }
0xbf: {  	_ =	sfence.sel $0xFFFF  }
0xc0: {  	[dreg:$0x0] =	wrdreg $0xFFFFFFFF;
	(pc) =	sbr.abs _section_cstart, $3  }
0xc1: {  	[dreg:$0x1] =	wrdreg $0xFFFFFFFF  }
0xc2: {  	_ =	task.clear_ibuf [dreg:s7], $0x2FFFF;
	_ =	strace $0x9FFFFFFF  }
0xc3: {  	(tm) =	ssettm $0x7FFFFFFF  }
tec
execute0_lowered:
.L_overlay_start_1:
0x0: {  	(tag) =	ssettag $0x1  }
0x1: {  	s1 =	rddreg [dreg:$0x0];
	s0 =	stileid.u32  }
0x2: {  	s6 =	rddreg [dreg:$0x1];
	s4 =	srdreg.scid  }
0x3: {  	s3 =	rddreg [dreg:$0x2];
	s15 =	simm.s32 $0x5100;
	s10 =	smul.u32 $0xA000, s0  }
0x4: {  	s18 =	simm.s32 $0x0;
	s2 =	sshrl.u32 s0, $0x3;
	s28 =	smul.u32 $0x29000, s0  }
0x5: {  	s7 =	sand.u32 $0x1, s4;
	s8 =	sshll.u32 s0, $0x7;
	s12 =	smul.u32 $0x28000, s0  }
0x6: {  	s4 =	simm.s32 $0x0;
	s16 =	sshll.u32 s0, $0x6;
	s5 =	smul.u32 $0x14000, s2  }
0x7: {  	s2 =	rddreg [dreg:$0x3];
	s9 =	smul.u32 $0x140000, s7;
	s8 =	sand.u32 $0x380, s8  }
0x8: {  	[smem:$0x7FF] =	sst s4;
	s29 =	ssub.s32 $0x2, s7;
	s14 =	smul.u32 $0x2710, s7  }
0x9: {  	s16 =	sor.u32 $0x1C03, s16;
	_ =	strace $0x80000047;
	s30 =	sshrl.u32 s29, $0x1  }
0xa: {  	s31 =	sshrl.u32 s12, $0x2;
	s12 =	simm.s32 $0x400;
	s5 =	sor.u32 s8, s5  }
0xb: {  	s25 =	sadd.s32 s10, s9;
	s10 =	sshrl.u32 s28, $0x2;
	s13 =	ssub.s32 s29, s30  }
0xc: {  	v0 =	vmov s14;
	s14 =	simm.s32 $0x2800;
	s5 =	sshrl.u32 s5, $0x3;
	s8 =	sshrl.u32 s25, $0x3  }
0xd: {  	s17 =	sadd.s32 s10, s3;
	s10 =	smax.u32 s13, $0x1;
	s13 =	simm.s32 $0x3  }
0xe: {  	s26 =	sadd.s32 s5, s6;
	s5 =	sadd.s32 $0x5600, s6;
	s11 =	sadd.s32 s8, s6  }
0xf: {  	v1 =	vimm.s32 $0x1400;
	s8 =	sadd.s32 s31, s3;
	s17 =	sshrl.u32 s17, $0x3;
	s6 =	sadd.s32 $0x600, s26  }
0x10: {  	v2 =	vimm.s32 $0x2800;
	v3 =	vimm.s32 $0x0;
	v4 =	vlaneseq.u32;
	s7 =	sadd.s32 $0x6C00, s11;
	s9 =	sadd.s32 $0x1AC00, s11;
	s11 =	simm.s32 $0x80  }
.LBB2_1:
0x11: {  	[tilespmem:s4], [sflag:$0x3] =	stream.strided.gather [hbm4b:s6+s11], $0x2800, s12, s11, $0x38;
	[tilespmem:$0x1F300] =	vst v63  }
0x12: {  	_ =	swait.ge [sflag:s13], $0x2800  }
0x13: {  	[sflag:s13] =	ssyncset.done $0x0  }
0x14: {  	s19 =	simm.s32 $0x0;
	[sflag:s13] =	ssyncadd.s32 $0xFFFFD800  }
.LBB2_2:
0x15: {  	p0 =	sne.s32 s19, $0xA3C0  }
.Ltmp0:
0x16: {  	_ = 	snop;
	(pc) =	sbr.rel @p0 .LBB2_2-.Ltmp0, $4  }
0x17: {  	_ = 	snop  }
0x18: {  	s20 =	sshra.s32 s19, $0x2  }
0x19: {  	[tilespmem:s20+$0x2800] =	vst v1  }
0x1a: {  	s19 =	sadd.s32 $0x40, s19;
	[tilespmem:s20+$0x5100] =	vst v2  }
0x1b: {  	s19 =	simm.s32 $0x0  }
0x1c: {  	v5 =	vld [tilespmem:s19+$0x0];
	_ =	sdelay $0x4  }
0x1d: {  	v6 =	vand.u32 $0x3C00, v5  }
0x1e: {  	vm0 =	vlt.u32 v6, $0x1400  }
0x1f: {  	v7 =	vsel vm0, $0x1, v3  }
0x20: {  	(xrf0) =	vadd.scan.msk.s32 $0xffff, v7;
	_ =	sdelay $0x1  }
0x21: {  	s30 =	simm.s32 $0x0  }
0x22: {  	v7 =	vmov s30  }
0x23: {  	v7 =	vadd.s32 $0xFFFFFFFF, v7  }
0x24: {  	v7 =	vbroadcast v7, $0x0  }
0x25: {  	v8, _, _ =	vpop (xrf0)  }
0x26: {  	v7 =	vadd.s32 v8, v7;
	v9 =	vsub.s32 s30, v8;
	(v2sf) =	vpush v8, $0xF  }
0x27: {  	vm1 =	vge.u32 v6, $0x1400;
	v6 =	vadd.s32 v4, v9;
	v7 =	vnsel vm0, $0x0, v7  }
0x28: {  	v6 =	vsel vm0, $0x0, v6;
	_ =	sdelay $0x3  }
0x29: {  	[tilespmem:v7+s14+$0x0] =	vst.idx.msk vm0, v5  }
0x2a: {  	s31 =	simm.s32 $0x10;
	[tilespmem:v6+s15+$0x0] =	vst.idx.msk vm1, v5  }
0x2b: {  	v5 =	vld [tilespmem:s31+$0x0];
	_ =	sdelay $0x4  }
0x2c: {  	v6 =	vand.u32 $0x3C00, v5  }
0x2d: {  	vm0 =	vlt.u32 v6, $0x1400  }
0x2e: {  	v7 =	vsel vm0, $0x1, v3;
	s21 =	spop (v2sf)  }
0x2f: {  	s20 =	simm.s32 $0x80;
	(xrf0) =	vadd.scan.msk.s32 $0xffff, v7;
	s19 =	sadd.s32 $0x0, s21;
	s21 =	ssub.s32 $0x0, s21  }
.LBB2_4:
0x30: {  	p0 =	sne.s32 s20, $0x9FC0  }
0x31: {  	s21 =	sadd.s32 $0x10, s21;
	s22 =	smov.u32 s20;
	s20 =	sadd.s32 $0x40, s20  }
0x32: {  	_ = 	snop  }
0x33: {  	v7 =	vmov s19  }
0x34: {  	v7 =	vadd.s32 $0xFFFFFFFF, v7  }
0x35: {  	v7 =	vbroadcast v7, $0x0  }
0x36: {  	v8, _, _ =	vpop (xrf0)  }
0x37: {  	v7 =	vadd.s32 v8, v7;
	v9 =	vsub.s32 s21, v8;
	(v2sf) =	vpush v8, $0xF  }
0x38: {  	vm1 =	vge.u32 v6, $0x1400;
	v6 =	vadd.s32 v4, v9;
	v7 =	vnsel vm0, $0x0, v7  }
0x39: {  	v6 =	vsel vm0, $0x0, v6;
	_ =	sdelay $0x3  }
0x3a: {  	[tilespmem:v7+s14+$0x0] =	vst.idx.msk vm0, v5  }
0x3b: {  	s22 =	sshra.s32 s22, $0x2;
	[tilespmem:v6+s15+$0x0] =	vst.idx.msk vm1, v5  }
0x3c: {  	v5 =	vld [tilespmem:s22+$0x0];
	_ =	sdelay $0x3  }
.Ltmp1:
0x3d: {  	(pc) =	sbr.rel @p0 .LBB2_4-.Ltmp1, $4  }
0x3e: {  	v6 =	vand.u32 $0x3C00, v5  }
0x3f: {  	vm0 =	vlt.u32 v6, $0x1400  }
0x40: {  	v7 =	vsel vm0, $0x1, v3;
	s22 =	spop (v2sf)  }
0x41: {  	(xrf0) =	vadd.scan.msk.s32 $0xffff, v7;
	s19 =	sadd.s32 s19, s22;
	s21 =	ssub.s32 s21, s22  }
0x42: {  	_ =	sdelay $0x4  }
0x43: {  	v7, _, _ =	vpop (xrf0)  }
0x44: {  	(v2sf) =	vpush v7, $0xF;
	_ =	sdelay $0x3  }
0x45: {  	v8 =	vmov s19  }
0x46: {  	v8 =	vadd.s32 $0xFFFFFFFF, v8  }
0x47: {  	v8 =	vbroadcast v8, $0x0  }
0x48: {  	s20 =	sadd.s32 $0x10, s21  }
0x49: {  	v8 =	vadd.s32 v7, v8;
	v7 =	vsub.s32 s20, v7  }
0x4a: {  	vm1 =	vge.u32 v6, $0x1400;
	v6 =	vadd.s32 v4, v7;
	v7 =	vnsel vm0, $0x0, v8  }
0x4b: {  	v6 =	vsel vm0, $0x0, v6;
	_ =	sdelay $0x3  }
0x4c: {  	[tilespmem:v7+s14+$0x0] =	vst.idx.msk vm0, v5  }
0x4d: {  	[tilespmem:v6+s15+$0x0] =	vst.idx.msk vm1, v5;
	s23 =	spop (v2sf)  }
0x4e: {  	[bflag:$0x0] =	sbarrier.arrive $0xFFFF  }
0x4f: {  	[spmem:s17], [sflag:s16] =	dma.local [hbm:s5], $0x1480  }
0x50: {  	_ =	swait.ge [sflag:s13], $0x1480  }
0x51: {  	[sflag:s13] =	ssyncset.done $0x0  }
0x52: {  	s22 =	simm.s32 $0x0;
	[sflag:s13] =	ssyncadd.s32 $0xFFFFEB80  }
0x53: {  	v5 =	vld [tilespmem:s22+$0x2800];
	_ =	sdelay $0x3  }
0x54: {  	s21 =	simm.s32 $0x0  }
0x55: {  	s24 =	sand.u32 $0xFE00, s21;
	v6 =	vshra.s32 v5, $0xE  }
0x56: {  	s25 =	sand.u32 $0x70, s21;
	s24 =	sshrl.u32 s24, $0x2;
	v5 =	vand.u32 $0x3FFF, v5;
	v6 =	vadd.s32 v0, v6  }
0x57: {  	s24 =	sor.u32 s25, s24;
	v5 =	vmin.u32 v5, $0x1400;
	[tilespmem:s22+$0x7A00] =	vst v6  }
0x58: {  	s31 =	ssub.s32 s20, s23;
	s20 =	simm.s32 $0x10;
	s22 =	sadd.s32 s19, s23;
	[tilespmem:s24+$0xA300] =	vst v5  }
0x59: {  	s19 =	sadd.s32 $0x10, s31;
	s23 =	simm.s32 $0x80;
	s24 =	simm.s32 $0x40;
	v5 =	vld [tilespmem:s20+$0x2800]  }
.LBB2_6:
0x5a: {  	p0 =	sne.s32 s23, $0xA3C0;
	_ =	sdelay $0x3  }
.Ltmp2:
0x5b: {  	s24 =	sand.u32 $0xFE00, s24;
	s21 =	sadd.s32 $0x10, s21;
	v6 =	vshra.s32 v5, $0xE;
	(pc) =	sbr.rel @p0 .LBB2_6-.Ltmp2, $4  }
0x5c: {  	s25 =	sand.u32 $0x70, s21;
	s26 =	sshrl.u32 s24, $0x2;
	s24 =	smov.u32 s23;
	v5 =	vand.u32 $0x3FFF, v5;
	v6 =	vadd.s32 v0, v6  }
0x5d: {  	s25 =	sor.u32 s25, s26;
	v5 =	vmin.u32 v5, $0x1400;
	[tilespmem:s20+$0x7A00] =	vst v6  }
0x5e: {  	s20 =	sshra.s32 s23, $0x2;
	[tilespmem:s25+$0xA300] =	vst v5  }
0x5f: {  	s23 =	sadd.s32 $0x40, s23;
	v5 =	vld [tilespmem:s20+$0x2800]  }
0x60: {  	s22 =	sadd.s32 $0x7F, s22  }
0x61: {  	s21 =	sadd.s32 $0x10, s21;
	s23 =	sand.u32 $0xFE00, s24;
	s28 =	sand.u32 $0x7F, s22  }
0x62: {  	s25 =	sshra.s32 s22, $0x1F;
	p0 =	slt.s32 s22, $0x1;
	p1 =	sne.s32 s28, $0x0  }
0x63: {  	s24 =	simm.s32 $0x1;
	s29 =	sshrl.u32 s25, $0x19;
	p0 =	por !p0, !p1  }
0x64: {  	s21 =	sand.u32 $0x70, s21;
	s22 =	sadd.s32 s29, s22;
	v6 =	vshra.s32 v5, $0xE;
	p0 =	por !p0, !p0  }
0x65: {  	s23 =	sshrl.u32 s23, $0x2;
	v5 =	vand.u32 $0x3FFF, v5;
	s31 =	sshra.s32 s22, $0x7;
	v6 =	vadd.s32 v0, v6;
	s24 =	simm.s32 @!p0 $0x0  }
0x66: {  	s30 =	sor.u32 s21, s23;
	v5 =	vmin.u32 v5, $0x1400;
	[tilespmem:s20+$0x7A00] =	vst v6;
	s20 =	ssub.s32 s31, s24  }
0x67: {  	[tilespmem:s30+$0xA300] =	vst v5;
	p0 =	slt.s32 s20, $0x1  }
0x68: {  	[bflag:$0x0] =	sbarrier.arrive $0xFFFF;
	s21 =	simm.s32 @!p0 $0x80  }
0x69: {  	s22 =	simm.s32 @!p0 $0x7A00;
	s23 =	simm.s32 @!p0 $0xCF00;
	p1 =	seq.s32 @!p0 s20, $0x1  }
0x6a: {  	[tilespmem:s23], [sflag:$0x1] =	stream.indirect.gather @!p0 [hbm4b:s1+s21], $0x80, s22, s21, $0xb8;
	[tilespmem:$0x1F300] =	vst v63  }
0x6b: {  	p0 =	por p1, p0  }
0x6c: {  	s21 =	simm.s32 @!p0 $0x80;
	s22 =	simm.s32 @!p0 $0x7A80;
	s23 =	simm.s32 @!p0 $0x10F00  }
0x6d: {  	[tilespmem:s23], [sflag:$0x2] =	stream.indirect.gather @!p0 [hbm4b:s1+s21], $0x80, s22, s21, $0xb8;
	[tilespmem:$0x1F300] =	vst v63  }
0x6e: {  	p0 =	sle.s32 s20, $0x0  }
0x6f: {  	s21 =	simm.s32 @!p0 $0x1  }
0x70: {  	s22 =	simm.s32 $0xA300;
	_ =	swait.ge @!p0 [sflag:s21], $0x4000  }
0x71: {  	p1 =	sle.u32 @!p0 s20, $0x2;
	s23 =	simm.s32 @!p0 $0x3;
	[sflag:s21] =	ssyncset.done @!p0 $0x0  }
0x72: {  	s24 =	simm.s32 @!p0 $0xCF00;
	[sflag:s21] =	ssyncadd.s32 @!p0 $0xFFFFC000;
	s21 =	simm.s32 @!p0 $0x80  }
0x73: {  	[spmem:s3] =	stream.indirect.scatter.add.f32 @!p0 [tilespmem:s24], [sflag:$0x3], $0x80, s22, s21, $0xb8;
	[tilespmem:$0x1F300] =	vst v63  }
0x74: {  	p1 =	por p1, p0;
	_ =	swait.ge @!p0 [sflag:s23], $0x4000  }
0x75: {  	s21 =	simm.s32 $0x7B00;
	s22 =	simm.s32 @!p1 $0xCF00;
	[sflag:s23] =	ssyncset.done @!p0 $0x0  }
0x76: {  	[sflag:s23] =	ssyncadd.s32 @!p0 $0xFFFFC000;
	s23 =	simm.s32 @!p1 $0x80;
	p0 =	sle.s32 s20, $0x1  }
0x77: {  	[tilespmem:s22], [sflag:$0x1] =	stream.indirect.gather @!p1 [hbm4b:s1+s23], $0x80, s21, s23, $0xb8;
	[tilespmem:$0x1F300] =	vst v63  }
0x78: {  	s21 =	simm.s32 $0x2;
	s23 =	simm.s32 @!p0 $0x2  }
0x79: {  	s22 =	simm.s32 $0x7C00;
	s25 =	simm.s32 @!p0 $0x80;
	_ =	swait.ge @!p0 [sflag:s23], $0x4000  }
0x7a: {  	s26 =	simm.s32 @!p0 $0x10F00;
	s28 =	simm.s32 @!p0 $0xA380;
	[sflag:s23] =	ssyncset.done @!p0 $0x0  }
0x7b: {  	s24 =	simm.s32 @!p0 $0x3;
	p1 =	sle.s32 @!p0 s20, $0x3;
	[sflag:s23] =	ssyncadd.s32 @!p0 $0xFFFFC000  }
0x7c: {  	[spmem:s3] =	stream.indirect.scatter.add.f32 @!p0 [tilespmem:s26], [sflag:$0x3], $0x80, s28, s25, $0xb8;
	[tilespmem:$0x1F300] =	vst v63  }
0x7d: {  	p3 =	por p1, p0;
	s23 =	simm.s32 $0xA400;
	_ =	swait.ge @!p0 [sflag:s24], $0x4000  }
0x7e: {  	s25 =	simm.s32 @!p3 $0x7B80;
	s26 =	simm.s32 @!p3 $0x10F00;
	[sflag:s24] =	ssyncset.done @!p0 $0x0  }
.LBB2_8:
0x7f: {  	p2 =	sge.s32 s21, s20;
	[sflag:s24] =	ssyncadd.s32 @!p0 $0xFFFFC000  }
0x80: {  	s24 =	simm.s32 @!p3 $0x80;
	s28 =	smov.u32 s21;
	s29 =	smov.u32 s22  }
0x81: {  	[tilespmem:s26], [sflag:$0x2] =	stream.indirect.gather @!p3 [hbm4b:s1+s24], $0x80, s25, s24, $0xb8;
	[tilespmem:$0x1F300] =	vst v63  }
0x82: {  	s21 =	sadd.s32 $0x2, s21;
	s24 =	simm.s32 @!p2 $0x1;
	s25 =	sadd.s32 @!p2 $0x2, s28  }
0x83: {  	p1 =	sne.s32 s21, $0x52;
	p0 =	sge.u32 @!p2 s25, s20;
	_ =	swait.ge @!p2 [sflag:s24], $0x4000  }
0x84: {  	s25 =	simm.s32 @!p2 $0x3;
	p3 =	por p0, p2;
	[sflag:s24] =	ssyncset.done @!p2 $0x0  }
0x85: {  	s26 =	simm.s32 @!p2 $0xCF00;
	[sflag:s24] =	ssyncadd.s32 @!p2 $0xFFFFC000;
	s24 =	simm.s32 @!p2 $0x80  }
0x86: {  	[spmem:s3] =	stream.indirect.scatter.add.f32 @!p2 [tilespmem:s26], [sflag:$0x3], $0x80, s23, s24, $0xb8;
	[tilespmem:$0x1F300] =	vst v63  }
0x87: {  	_ =	swait.ge @!p2 [sflag:s25], $0x4000  }
0x88: {  	s24 =	simm.s32 @!p3 $0xCF00;
	s26 =	sadd.s32 $0x1, s28;
	[sflag:s25] =	ssyncset.done @!p2 $0x0  }
0x89: {  	p0 =	sge.s32 s26, s20;
	[sflag:s25] =	ssyncadd.s32 @!p2 $0xFFFFC000;
	s25 =	simm.s32 @!p3 $0x80  }
0x8a: {  	[tilespmem:s24], [sflag:$0x1] =	stream.indirect.gather @!p3 [hbm4b:s1+s25], $0x80, s22, s25, $0xb8;
	[tilespmem:$0x1F300] =	vst v63  }
0x8b: {  	s24 =	simm.s32 @!p0 $0x2;
	s25 =	sadd.s32 @!p0 $0x3, s28;
	s22 =	sadd.s32 $0x100, s22  }
0x8c: {  	s26 =	simm.s32 @!p0 $0x80;
	s28 =	simm.s32 @!p0 $0x10F00;
	_ =	swait.ge @!p0 [sflag:s24], $0x4000  }
.Ltmp3:
0x8d: {  	s30 =	sadd.s32 @!p0 $0x80, s23;
	[sflag:s24] =	ssyncset.done @!p0 $0x0;
	(pc) =	sbr.rel @p1 .LBB2_8-.Ltmp3, $4  }
0x8e: {  	p2 =	sge.s32 @!p0 s25, s20;
	[sflag:s24] =	ssyncadd.s32 @!p0 $0xFFFFC000;
	s24 =	simm.s32 @!p0 $0x3  }
0x8f: {  	[spmem:s3] =	stream.indirect.scatter.add.f32 @!p0 [tilespmem:s28], [sflag:$0x3], $0x80, s30, s26, $0xb8;
	[tilespmem:$0x1F300] =	vst v63  }
0x90: {  	s23 =	sadd.s32 $0x100, s23;
	p3 =	por p2, p0;
	_ =	swait.ge @!p0 [sflag:s24], $0x4000  }
0x91: {  	s25 =	sadd.s32 @!p3 $0x80, s29;
	s26 =	simm.s32 @!p3 $0x10F00;
	[sflag:s24] =	ssyncset.done @!p0 $0x0  }
0x92: {  	[sflag:s24] =	ssyncadd.s32 @!p0 $0xFFFFC000;
	s20 =	simm.s32 @!p3 $0x80  }
0x93: {  	[tilespmem:s26], [sflag:$0x2] =	stream.indirect.gather @!p3 [hbm4b:s1+s20], $0x80, s25, s20, $0xb8;
	[tilespmem:$0x1F300] =	vst v63  }
0x94: {  	s20 =	sshrl.u32 s8, $0x3;
	[bflag:$0x0] =	sbarrier.arrive $0xFFFF  }
0x95: {  	[hbm:s7], [sflag:s16] =	dma.local [spmem:s20], $0x1400  }
0x96: {  	_ =	swait.ge [sflag:s13], $0x1400  }
0x97: {  	[sflag:s13] =	ssyncset.done $0x0  }
0x98: {  	[sflag:s13] =	ssyncadd.s32 $0xFFFFEC00  }
0x99: {  	[bflag:$0x0] =	sbarrier.arrive $0xFFFF  }
0x9a: {  	[spmem:s17], [sflag:s16] =	dma.local [hbm:s5], $0x1480  }
0x9b: {  	_ =	swait.ge [sflag:s13], $0x1480  }
0x9c: {  	[sflag:s13] =	ssyncset.done $0x0  }
0x9d: {  	s21 =	simm.s32 $0x0;
	[sflag:s13] =	ssyncadd.s32 $0xFFFFEB80  }
0x9e: {  	v5 =	vld [tilespmem:s21+$0x5100];
	_ =	sdelay $0x3  }
0x9f: {  	s22 =	simm.s32 $0x0  }
0xa0: {  	s23 =	sand.u32 $0xFE00, s22;
	v6 =	vshra.s32 v5, $0xE;
	v5 =	vand.u32 $0x3FFF, v5  }
0xa1: {  	s30 =	sand.u32 $0x70, s22;
	s23 =	sshrl.u32 s23, $0x2;
	v6 =	vadd.s32 v0, v6;
	v5 =	vadd.s32 $0xFFFFEC00, v5  }
0xa2: {  	s31 =	sor.u32 s30, s23;
	[tilespmem:s21+$0x7A00] =	vst v6;
	v5 =	vmin.u32 v5, $0x1400  }
0xa3: {  	s24 =	simm.s32 $0x80;
	s23 =	simm.s32 $0x40;
	s21 =	simm.s32 $0x10;
	[tilespmem:s31+$0xA300] =	vst v5  }
.LBB2_10:
0xa4: {  	p0 =	sne.s32 s24, $0xA3C0;
	v5 =	vld [tilespmem:s21+$0x5100];
	_ =	sdelay $0x3  }
.Ltmp4:
0xa5: {  	(pc) =	sbr.rel @p0 .LBB2_10-.Ltmp4, $4  }
0xa6: {  	s25 =	sand.u32 $0xFE00, s23;
	s22 =	sadd.s32 $0x10, s22;
	s23 =	smov.u32 s24;
	v6 =	vshra.s32 v5, $0xE;
	v5 =	vand.u32 $0x3FFF, v5  }
0xa7: {  	s26 =	sand.u32 $0x70, s22;
	s25 =	sshrl.u32 s25, $0x2;
	v6 =	vadd.s32 v0, v6;
	v5 =	vadd.s32 $0xFFFFEC00, v5  }
0xa8: {  	s25 =	sor.u32 s26, s25;
	[tilespmem:s21+$0x7A00] =	vst v6;
	v5 =	vmin.u32 v5, $0x1400  }
0xa9: {  	s24 =	sadd.s32 $0x40, s24;
	s21 =	sshra.s32 s23, $0x2;
	[tilespmem:s25+$0xA300] =	vst v5  }
0xaa: {  	v5 =	vld [tilespmem:s21+$0x5100];
	s19 =	sadd.s32 $0x7F, s19  }
0xab: {  	s24 =	sand.u32 $0x7F, s19  }
0xac: {  	s25 =	sshra.s32 s19, $0x1F;
	p0 =	slt.s32 s19, $0x1;
	p1 =	sne.s32 s24, $0x0  }
0xad: {  	s22 =	sadd.s32 $0x10, s22;
	s30 =	sshrl.u32 s25, $0x19;
	p0 =	por !p0, !p1  }
0xae: {  	s24 =	simm.s32 $0x1;
	s19 =	sadd.s32 s30, s19;
	p0 =	por !p0, !p0  }
0xaf: {  	s23 =	sand.u32 $0xFE00, s23;
	s19 =	sshra.s32 s19, $0x7;
	v6 =	vshra.s32 v5, $0xE;
	v5 =	vand.u32 $0x3FFF, v5;
	s24 =	simm.s32 @!p0 $0x0  }
0xb0: {  	s22 =	sand.u32 $0x70, s22;
	s23 =	sshrl.u32 s23, $0x2;
	v6 =	vadd.s32 v0, v6;
	v5 =	vadd.s32 $0xFFFFEC00, v5;
	s19 =	ssub.s32 s19, s24  }
0xb1: {  	s31 =	sor.u32 s22, s23;
	[tilespmem:s21+$0x7A00] =	vst v6;
	v5 =	vmin.u32 v5, $0x1400;
	p0 =	slt.s32 s19, $0x1  }
0xb2: {  	[tilespmem:s31+$0xA300] =	vst v5;
	s21 =	simm.s32 @!p0 $0x80;
	s22 =	simm.s32 @!p0 $0x7A00  }
0xb3: {  	s23 =	simm.s32 @!p0 $0xCF00;
	p1 =	seq.s32 @!p0 s19, $0x1;
	[bflag:$0x0] =	sbarrier.arrive $0xFFFF  }
0xb4: {  	[tilespmem:s23], [sflag:$0x1] =	stream.indirect.gather @!p0 [hbm4b:s1+s21], $0x80, s22, s21, $0xb8;
	[tilespmem:$0x1F300] =	vst v63  }
0xb5: {  	p0 =	por p1, p0  }
0xb6: {  	s21 =	simm.s32 @!p0 $0x80;
	s22 =	simm.s32 @!p0 $0x7A80;
	s23 =	simm.s32 @!p0 $0x10F00  }
0xb7: {  	[tilespmem:s23], [sflag:$0x2] =	stream.indirect.gather @!p0 [hbm4b:s1+s21], $0x80, s22, s21, $0xb8;
	[tilespmem:$0x1F300] =	vst v63  }
0xb8: {  	p0 =	sle.s32 s19, $0x0  }
0xb9: {  	s21 =	simm.s32 @!p0 $0x1  }
0xba: {  	s22 =	simm.s32 $0xA300;
	_ =	swait.ge @!p0 [sflag:s21], $0x4000  }
0xbb: {  	p1 =	sle.u32 @!p0 s19, $0x2;
	s23 =	simm.s32 @!p0 $0x3;
	[sflag:s21] =	ssyncset.done @!p0 $0x0  }
0xbc: {  	s24 =	simm.s32 @!p0 $0xCF00;
	[sflag:s21] =	ssyncadd.s32 @!p0 $0xFFFFC000;
	s21 =	simm.s32 @!p0 $0x80  }
0xbd: {  	[spmem:s3] =	stream.indirect.scatter.add.f32 @!p0 [tilespmem:s24], [sflag:$0x3], $0x80, s22, s21, $0xb8;
	[tilespmem:$0x1F300] =	vst v63  }
0xbe: {  	p1 =	por p1, p0;
	_ =	swait.ge @!p0 [sflag:s23], $0x4000  }
0xbf: {  	s21 =	simm.s32 $0x7B00;
	s22 =	simm.s32 @!p1 $0xCF00;
	[sflag:s23] =	ssyncset.done @!p0 $0x0  }
0xc0: {  	[sflag:s23] =	ssyncadd.s32 @!p0 $0xFFFFC000;
	s23 =	simm.s32 @!p1 $0x80;
	p0 =	sle.s32 s19, $0x1  }
0xc1: {  	[tilespmem:s22], [sflag:$0x1] =	stream.indirect.gather @!p1 [hbm4b:s1+s23], $0x80, s21, s23, $0xb8;
	[tilespmem:$0x1F300] =	vst v63  }
0xc2: {  	s21 =	simm.s32 $0x2;
	s23 =	simm.s32 @!p0 $0x2  }
0xc3: {  	s22 =	simm.s32 $0x7C00;
	s25 =	simm.s32 @!p0 $0x80;
	_ =	swait.ge @!p0 [sflag:s23], $0x4000  }
0xc4: {  	s26 =	simm.s32 @!p0 $0x10F00;
	s28 =	simm.s32 @!p0 $0xA380;
	[sflag:s23] =	ssyncset.done @!p0 $0x0  }
0xc5: {  	s24 =	simm.s32 @!p0 $0x3;
	p1 =	sle.s32 @!p0 s19, $0x3;
	[sflag:s23] =	ssyncadd.s32 @!p0 $0xFFFFC000  }
0xc6: {  	[spmem:s3] =	stream.indirect.scatter.add.f32 @!p0 [tilespmem:s26], [sflag:$0x3], $0x80, s28, s25, $0xb8;
	[tilespmem:$0x1F300] =	vst v63  }
0xc7: {  	p3 =	por p1, p0;
	s23 =	simm.s32 $0xA400;
	_ =	swait.ge @!p0 [sflag:s24], $0x4000  }
0xc8: {  	s25 =	simm.s32 @!p3 $0x7B80;
	s26 =	simm.s32 @!p3 $0x10F00;
	[sflag:s24] =	ssyncset.done @!p0 $0x0  }
.LBB2_12:
0xc9: {  	p2 =	sge.s32 s21, s19;
	[sflag:s24] =	ssyncadd.s32 @!p0 $0xFFFFC000  }
0xca: {  	s24 =	simm.s32 @!p3 $0x80;
	s28 =	smov.u32 s21;
	s29 =	smov.u32 s22  }
0xcb: {  	[tilespmem:s26], [sflag:$0x2] =	stream.indirect.gather @!p3 [hbm4b:s1+s24], $0x80, s25, s24, $0xb8;
	[tilespmem:$0x1F300] =	vst v63  }
0xcc: {  	s21 =	sadd.s32 $0x2, s21;
	s24 =	simm.s32 @!p2 $0x1;
	s25 =	sadd.s32 @!p2 $0x2, s28  }
0xcd: {  	p1 =	sne.s32 s21, $0x52;
	p0 =	sge.u32 @!p2 s25, s19;
	_ =	swait.ge @!p2 [sflag:s24], $0x4000  }
0xce: {  	s25 =	simm.s32 @!p2 $0x3;
	p3 =	por p0, p2;
	[sflag:s24] =	ssyncset.done @!p2 $0x0  }
0xcf: {  	s26 =	simm.s32 @!p2 $0xCF00;
	[sflag:s24] =	ssyncadd.s32 @!p2 $0xFFFFC000;
	s24 =	simm.s32 @!p2 $0x80  }
0xd0: {  	[spmem:s3] =	stream.indirect.scatter.add.f32 @!p2 [tilespmem:s26], [sflag:$0x3], $0x80, s23, s24, $0xb8;
	[tilespmem:$0x1F300] =	vst v63  }
0xd1: {  	_ =	swait.ge @!p2 [sflag:s25], $0x4000  }
0xd2: {  	s24 =	simm.s32 @!p3 $0xCF00;
	s26 =	sadd.s32 $0x1, s28;
	[sflag:s25] =	ssyncset.done @!p2 $0x0  }
0xd3: {  	p0 =	sge.s32 s26, s19;
	[sflag:s25] =	ssyncadd.s32 @!p2 $0xFFFFC000;
	s25 =	simm.s32 @!p3 $0x80  }
0xd4: {  	[tilespmem:s24], [sflag:$0x1] =	stream.indirect.gather @!p3 [hbm4b:s1+s25], $0x80, s22, s25, $0xb8;
	[tilespmem:$0x1F300] =	vst v63  }
0xd5: {  	s24 =	simm.s32 @!p0 $0x2;
	s25 =	sadd.s32 @!p0 $0x3, s28;
	s22 =	sadd.s32 $0x100, s22  }
0xd6: {  	s26 =	simm.s32 @!p0 $0x80;
	s28 =	simm.s32 @!p0 $0x10F00;
	_ =	swait.ge @!p0 [sflag:s24], $0x4000  }
.Ltmp5:
0xd7: {  	s30 =	sadd.s32 @!p0 $0x80, s23;
	[sflag:s24] =	ssyncset.done @!p0 $0x0;
	(pc) =	sbr.rel @p1 .LBB2_12-.Ltmp5, $4  }
0xd8: {  	p2 =	sge.s32 @!p0 s25, s19;
	[sflag:s24] =	ssyncadd.s32 @!p0 $0xFFFFC000;
	s24 =	simm.s32 @!p0 $0x3  }
0xd9: {  	[spmem:s3] =	stream.indirect.scatter.add.f32 @!p0 [tilespmem:s28], [sflag:$0x3], $0x80, s30, s26, $0xb8;
	[tilespmem:$0x1F300] =	vst v63  }
0xda: {  	s23 =	sadd.s32 $0x100, s23;
	p3 =	por p2, p0;
	_ =	swait.ge @!p0 [sflag:s24], $0x4000  }
0xdb: {  	s25 =	sadd.s32 @!p3 $0x80, s29;
	s26 =	simm.s32 @!p3 $0x10F00;
	[sflag:s24] =	ssyncset.done @!p0 $0x0  }
0xdc: {  	[sflag:s24] =	ssyncadd.s32 @!p0 $0xFFFFC000;
	s19 =	simm.s32 @!p3 $0x80;
	s18 =	sadd.s32 $0x1, s18  }
0xdd: {  	[tilespmem:s26], [sflag:$0x2] =	stream.indirect.gather @!p3 [hbm4b:s1+s19], $0x80, s25, s19, $0xb8;
	[tilespmem:$0x1F300] =	vst v63  }
0xde: {  	p0 =	sne.s32 s18, s10  }
.Ltmp6:
0xdf: {  	[bflag:$0x0] =	sbarrier.arrive $0xFFFF;
	(pc) =	sbr.rel @p0 .LBB2_1-.Ltmp6, $4  }
0xe0: {  	[hbm:s9], [sflag:s16] =	dma.local [spmem:s20], $0x1400  }
0xe1: {  	_ =	swait.ge [sflag:s13], $0x1400  }
0xe2: {  	[sflag:s13] =	ssyncset.done $0x0  }
0xe3: {  	[sflag:s13] =	ssyncadd.s32 $0xFFFFEC00  }
0xe4: {  	_ =	sfence.sel $0x180000  }
0xe5: {  	[bflag:$0x0] =	sbarrier.arrive $0xFFFF  }
0xe6: {  	p0 =	sne.s32 s0, $0x0;
	_ =	strace $0x90000047  }
0xe7: {  	s0 =	sadd.s32 @!p0 $0x100000, s2;
	[bflag:$0x2] =	sbarrier.arrive $0xFFFF  }
0xe8: {  	[sflag:s0] =	ssyncadd.tile.s32 @!p0 $0x1;
	_ =	shalt  }
.Lfunc_end2:
_tile_overlayer_lowered:
.L_overlay_start_2:
0xe9: {  	(tag) =	ssettag $0x2  }
0xea: {  	s0 =	rddreg [dreg:$0x0];
	s2 =	stileid.u32  }
0xeb: {  	s1 =	rddreg [dreg:$0x1];
	p0 =	sne.s32 s2, $0x0  }
0xec: {  	s3 =	rddreg [dreg:$0x2];
	[bflag:$0x3] =	sbarrier.arrive $0xFFFF;
	s2 =	simm.s32 @!p0 $0x1C03  }
0xed: {  	[timem:s3], [sflag:s2] =	dma.local @!p0 [hbm:s0], s1  }
0xee: {  	s0 =	simm.s32 @!p0 $0x3  }
0xef: {  	_ =	swait.ge @!p0 [sflag:s0], s1  }
0xf0: {  	s1 =	ssub.s32 @!p0 $0x0, s1;
	[sflag:s0] =	ssyncset.done @!p0 $0x0  }
0xf1: {  	[sflag:s0] =	ssyncadd.s32 @!p0 s1  }
0xf2: {  	[bflag:$0x3] =	sbarrier.arrive $0xFFFF  }
0xf3: {  	_ =	shalt  }

</sc_bundles>
